<compile_context>
chip_gen: v7x
topology: tpu7x:2x2x1
jax: 0.10.2.dev20260603
libtpu: 0.0.44.dev20260713+nightly
codegen_flags: <defaults>
</compile_context>

<pallas_src>
import jax
import jax.numpy as jnp
from jax import lax
from jax.experimental import pallas as pl
from jax.experimental.pallas import tpu as pltpu

_NEAR_PLANE = 0.8
_FAR_PLANE = 1000.0
_DEPTH_TO_SORT_KEY_SCALE = 100.0
_KEY_DEPTH_BITS = 17
_INTERPRET = False

_C = 512
_RB = 64


def _bf16(v):
    return v.astype(jnp.bfloat16).astype(jnp.float32)


def _attrs_key_body(params_ref, pc_ref, ft_ref, attrs_ref, key_ref):
    p = params_ref
    xc = pc_ref[0]
    yc = pc_ref[1]
    d = pc_ref[2]
    fx = p[12]
    fy = p[13]
    cx = p[14]
    cy = p[15]
    width = p[16]
    height = p[17]
    tiles_per_row = p[18]
    sentinel_key = p[19].astype(jnp.int32) << _KEY_DEPTH_BITS
    d_safe = jnp.where(jnp.abs(d) > 1e-6, d, 1e-6)
    u = fx * xc / d_safe + cx
    v = fy * yc / d_safe + cy
    mask = ((d > _NEAR_PLANE) & (d < _FAR_PLANE)
            & (u >= 0) & (u < width) & (v >= 0) & (v < height))

    qx = ft_ref[0]
    qy = ft_ref[1]
    qz = ft_ref[2]
    qw = ft_ref[3]
    inv_qn = 1.0 / (jnp.sqrt(qx * qx + qy * qy + qz * qz + qw * qw) + 1e-8)
    qx = qx * inv_qn
    qy = qy * inv_qn
    qz = qz * inv_qn
    qw = qw * inv_qn
    r00 = 1.0 - 2.0 * (qy * qy + qz * qz)
    r01 = 2.0 * (qx * qy - qw * qz)
    r02 = 2.0 * (qx * qz + qw * qy)
    r10 = 2.0 * (qx * qy + qw * qz)
    r11 = 1.0 - 2.0 * (qx * qx + qz * qz)
    r12 = 2.0 * (qy * qz - qw * qx)
    r20 = 2.0 * (qx * qz - qw * qy)
    r21 = 2.0 * (qy * qz + qw * qx)
    r22 = 1.0 - 2.0 * (qx * qx + qy * qy)
    s0 = jnp.exp(ft_ref[4])
    s1 = jnp.exp(ft_ref[5])
    s2 = jnp.exp(ft_ref[6])
    m00 = r00 * s0
    m01 = r01 * s1
    m02 = r02 * s2
    m10 = r10 * s0
    m11 = r11 * s1
    m12 = r12 * s2
    m20 = r20 * s0
    m21 = r21 * s1
    m22 = r22 * s2
    bm00 = _bf16(m00)
    bm01 = _bf16(m01)
    bm02 = _bf16(m02)
    bm10 = _bf16(m10)
    bm11 = _bf16(m11)
    bm12 = _bf16(m12)
    bm20 = _bf16(m20)
    bm21 = _bf16(m21)
    bm22 = _bf16(m22)
    s_00 = bm00 * bm00 + bm01 * bm01 + bm02 * bm02
    s_01 = bm00 * bm10 + bm01 * bm11 + bm02 * bm12
    s_02 = bm00 * bm20 + bm01 * bm21 + bm02 * bm22
    s_11 = bm10 * bm10 + bm11 * bm11 + bm12 * bm12
    s_12 = bm10 * bm20 + bm11 * bm21 + bm12 * bm22
    s_22 = bm20 * bm20 + bm21 * bm21 + bm22 * bm22
    br = [_bf16(p[i]) for i in range(9)]
    bs00 = _bf16(s_00)
    bs01 = _bf16(s_01)
    bs02 = _bf16(s_02)
    bs11 = _bf16(s_11)
    bs12 = _bf16(s_12)
    bs22 = _bf16(s_22)
    a00 = br[0] * bs00 + br[1] * bs01 + br[2] * bs02
    a01 = br[0] * bs01 + br[1] * bs11 + br[2] * bs12
    a02 = br[0] * bs02 + br[1] * bs12 + br[2] * bs22
    a10 = br[3] * bs00 + br[4] * bs01 + br[5] * bs02
    a11 = br[3] * bs01 + br[4] * bs11 + br[5] * bs12
    a12 = br[3] * bs02 + br[4] * bs12 + br[5] * bs22
    a20 = br[6] * bs00 + br[7] * bs01 + br[8] * bs02
    a21 = br[6] * bs01 + br[7] * bs11 + br[8] * bs12
    a22 = br[6] * bs02 + br[7] * bs12 + br[8] * bs22
    ba00 = _bf16(a00)
    ba01 = _bf16(a01)
    ba02 = _bf16(a02)
    ba10 = _bf16(a10)
    ba11 = _bf16(a11)
    ba12 = _bf16(a12)
    ba20 = _bf16(a20)
    ba21 = _bf16(a21)
    ba22 = _bf16(a22)
    c00 = ba00 * br[0] + ba01 * br[1] + ba02 * br[2]
    c01 = ba00 * br[3] + ba01 * br[4] + ba02 * br[5]
    c02 = ba00 * br[6] + ba01 * br[7] + ba02 * br[8]
    c10 = ba10 * br[0] + ba11 * br[1] + ba12 * br[2]
    c11 = ba10 * br[3] + ba11 * br[4] + ba12 * br[5]
    c12 = ba10 * br[6] + ba11 * br[7] + ba12 * br[8]
    c20 = ba20 * br[0] + ba21 * br[1] + ba22 * br[2]
    c21 = ba20 * br[3] + ba21 * br[4] + ba22 * br[5]
    c22 = ba20 * br[6] + ba21 * br[7] + ba22 * br[8]
    ja = fx / d_safe
    jb = -fx * xc / (d_safe * d_safe)
    jc = fy / d_safe
    je = -fy * yc / (d_safe * d_safe)
    bja = _bf16(ja)
    bjb = _bf16(jb)
    bjc = _bf16(jc)
    bje = _bf16(je)
    t100 = bja * _bf16(c00) + bjb * _bf16(c20)
    t101 = bja * _bf16(c01) + bjb * _bf16(c21)
    t102 = bja * _bf16(c02) + bjb * _bf16(c22)
    t110 = bjc * _bf16(c10) + bje * _bf16(c20)
    t111 = bjc * _bf16(c11) + bje * _bf16(c21)
    t112 = bjc * _bf16(c12) + bje * _bf16(c22)
    cov00 = _bf16(t100) * bja + _bf16(t102) * bjb
    cov01 = _bf16(t101) * bjc + _bf16(t102) * bje
    cov10 = _bf16(t110) * bja + _bf16(t112) * bjb
    cov11 = _bf16(t111) * bjc + _bf16(t112) * bje

    zero = jnp.zeros_like(u)
    attrs_ref[0] = jnp.where(mask, u, zero)
    attrs_ref[1] = jnp.where(mask, v, zero)
    attrs_ref[2] = jnp.where(mask, xc, zero)
    attrs_ref[3] = jnp.where(mask, yc, zero)
    attrs_ref[4] = jnp.where(mask, d, zero)
    attrs_ref[5] = jnp.where(mask, cov00, zero)
    attrs_ref[6] = jnp.where(mask, cov01, zero)
    attrs_ref[7] = jnp.where(mask, cov10, zero)
    attrs_ref[8] = jnp.where(mask, cov11, zero)
    attrs_ref[9] = zero
    attrs_ref[10] = zero
    attrs_ref[11] = zero
    attrs_ref[12] = zero
    attrs_ref[13] = zero
    attrs_ref[14] = zero
    attrs_ref[15] = zero

    depth_key = (d * _DEPTH_TO_SORT_KEY_SCALE).astype(jnp.int32)
    tile_f = jnp.floor(u * (1.0 / 16.0)) + jnp.floor(v * (1.0 / 16.0)) * tiles_per_row
    key = (tile_f.astype(jnp.int32) << _KEY_DEPTH_BITS) + depth_key
    key_ref[...] = jnp.where(mask, key, sentinel_key)


def _compute_attrs_and_key(pc3, ft3, params, grid):
    return pl.pallas_call(
        _attrs_key_body,
        grid=(grid,),
        in_specs=[
            pl.BlockSpec(memory_space=pltpu.SMEM),
            pl.BlockSpec((3, _RB, _C), lambda i: (0, i, 0)),
            pl.BlockSpec((7, _RB, _C), lambda i: (0, i, 0)),
        ],
        out_specs=[
            pl.BlockSpec((16, _RB, _C), lambda i: (0, i, 0)),
            pl.BlockSpec((_RB, _C), lambda i: (i, 0)),
        ],
        out_shape=[
            jax.ShapeDtypeStruct((16, grid * _RB, _C), jnp.float32),
            jax.ShapeDtypeStruct((grid * _RB, _C), jnp.int32),
        ],
        interpret=_INTERPRET,
    )(params, pc3, ft3)


def kernel(point_cloud, point_cloud_features, camera_intrinsics,
           T_pointcloud_camera, camera_width, camera_height):
    n = point_cloud.shape[0]

    T_camera_pointcloud = jnp.linalg.inv(T_pointcloud_camera)
    rcw = T_camera_pointcloud[:3, :3]
    tcw = T_camera_pointcloud[:3, 3]
    width_f = jnp.asarray(camera_width, jnp.float32)
    height_f = jnp.asarray(camera_height, jnp.float32)
    tiles_per_row_f = jnp.asarray(camera_width // 16, jnp.float32)
    params = jnp.concatenate([
        rcw.reshape(9), tcw.reshape(3),
        jnp.stack([camera_intrinsics[0, 0], camera_intrinsics[1, 1],
                   camera_intrinsics[0, 2], camera_intrinsics[1, 2],
                   width_f, height_f, tiles_per_row_f,
                   jnp.asarray((camera_width // 16) * ((camera_height + 15) // 16),
                               jnp.float32)]),
    ]).astype(jnp.float32)

    blk = _RB * _C
    grid = -(-n // blk)
    n_pad = grid * blk
    xyz_cam = point_cloud @ rcw.T + tcw
    pc_t = xyz_cam.T
    ft_t = point_cloud_features[:, :7].T
    if n_pad != n:
        pc_t = jnp.pad(pc_t, ((0, 0), (0, n_pad - n)))
        ft_t = jnp.pad(ft_t, ((0, 0), (0, n_pad - n)))
    pc3 = pc_t.reshape(3, grid * _RB, _C)
    ft3 = ft_t.reshape(7, grid * _RB, _C)

    attrs9, key2 = _compute_attrs_and_key(pc3, ft3, params, grid)
    key = key2.reshape(n_pad)
    attrs_rows = attrs9.reshape(16, n_pad).T

    iota = lax.iota(jnp.int32, n_pad)
    _, perm = lax.sort((key, iota), num_keys=1, is_stable=True)
    gathered = jnp.take(attrs_rows, perm, axis=0, mode="clip")
    return gathered[:n, :9]

# --- scband reference (transcript-rebuilt; emitter-appended) ---
"""Pipeline reference for scband-gaussian-point-cloud-rasterisation-13812614824642 (READ-ONLY COPY).

The authoritative reference and input builder live on the scoring server;
editing this copy changes nothing except your own understanding.
"""

import jax, jax.numpy as jnp
import numpy as np

NEAR_PLANE = 0.8
FAR_PLANE = 1000.0
DEPTH_TO_SORT_KEY_SCALE = 100.0


def setup_inputs(seed: int = 0) -> dict:
    key = jax.random.key(seed)
    N = 1000000
    k1, k2, k3 = jax.random.split(key, 3)
    xy = jax.random.uniform(k1, (N, 2), minval=-8.0, maxval=8.0, dtype=jnp.float32)
    z = jax.random.uniform(k2, (N, 1), minval=0.2, maxval=60.0, dtype=jnp.float32)
    point_cloud = jnp.concatenate([xy, z], axis=1).astype(jnp.float32)
    feats = (jax.random.normal(k3, (N, 56), dtype=jnp.float32) * 0.1)
    # make quaternion component non-degenerate
    feats = feats.at[:, 0].add(1.0)
    camera_intrinsics = jnp.array([[1111.0, 0.0, 960.0],
                                   [0.0, 1111.0, 540.0],
                                   [0.0, 0.0, 1.0]], dtype=jnp.float32)
    T_pointcloud_camera = jnp.eye(4, dtype=jnp.float32)
    return {
        'point_cloud': point_cloud,
        'point_cloud_features': feats,
        'camera_intrinsics': camera_intrinsics,
        'T_pointcloud_camera': T_pointcloud_camera,
        'camera_width': 1920,
        'camera_height': 1080,
    }


def _quat_to_rotmat(q):
    # q: [N,4] (x, y, z, w)
    x, y, z, w = q[:, 0], q[:, 1], q[:, 2], q[:, 3]
    R = jnp.stack([
        1 - 2 * (y * y + z * z), 2 * (x * y - w * z), 2 * (x * z + w * y),
        2 * (x * y + w * z), 1 - 2 * (x * x + z * z), 2 * (y * z - w * x),
        2 * (x * z - w * y), 2 * (y * z + w * x), 1 - 2 * (x * x + y * y)
    ], axis=-1).reshape(-1, 3, 3)
    return R


def reference(point_cloud, point_cloud_features, camera_intrinsics, T_pointcloud_camera, camera_width, camera_height):
    W = camera_width
    H = camera_height
    # camera extrinsics
    T_camera_pointcloud = jnp.linalg.inv(T_pointcloud_camera)
    Rcw = T_camera_pointcloud[:3, :3]
    tcw = T_camera_pointcloud[:3, 3]
    # project points to camera frame
    xyz_cam = point_cloud @ Rcw.T + tcw  # [N,3]
    x, y, d = xyz_cam[:, 0], xyz_cam[:, 1], xyz_cam[:, 2]
    fx = camera_intrinsics[0, 0]
    fy = camera_intrinsics[1, 1]
    cx = camera_intrinsics[0, 2]
    cy = camera_intrinsics[1, 2]
    d_safe = jnp.where(jnp.abs(d) > 1e-6, d, 1e-6)
    u = fx * x / d_safe + cx
    v = fy * y / d_safe + cy
    # filter_point_in_camera
    mask = (d > NEAR_PLANE) & (d < FAR_PLANE) & (u >= 0) & (u < W) & (v >= 0) & (v < H)
    # generate_point_attributes_in_camera_plane: uv covariance
    q = point_cloud_features[:, 0:4]
    q = q / (jnp.linalg.norm(q, axis=1, keepdims=True) + 1e-8)
    Rq = _quat_to_rotmat(q)  # [N,3,3]
    s = jnp.exp(point_cloud_features[:, 4:7])  # [N,3]
    M = Rq * s[:, None, :]  # R @ diag(s)
    Sigma = jnp.einsum('nij,nkj->nik', M, M)  # R S S^T R^T, [N,3,3]
    cov_cam = jnp.einsum('ij,njk,lk->nil', Rcw, Sigma, Rcw)  # [N,3,3]
    zeros = jnp.zeros_like(d_safe)
    J = jnp.stack([
        fx / d_safe, zeros, -fx * x / (d_safe * d_safe),
        zeros, fy / d_safe, -fy * y / (d_safe * d_safe)
    ], axis=-1).reshape(-1, 2, 3)  # [N,2,3]
    cov_uv = jnp.einsum('nij,njk,nlk->nil', J, cov_cam, J)  # [N,2,2]
    # per-point attributes, zeroed for out-of-frustum points
    attrs = jnp.concatenate([u[:, None], v[:, None], xyz_cam, cov_uv.reshape(-1, 4)], axis=1)  # [N,9]
    attrs = jnp.where(mask[:, None], attrs, 0.0)
    # generate_point_sort_key: primary key = tile id, secondary = encoded depth
    depth_key = (d * DEPTH_TO_SORT_KEY_SCALE).astype(jnp.int32)
    tile = (u / 16).astype(jnp.int32) + (v / 16).astype(jnp.int32) * (W // 16)
    tile = jnp.where(mask, tile, jnp.int32(2 ** 30))
    perm = jnp.lexsort((depth_key, tile))
    out = jnp.take(attrs, perm, axis=0)
    return out

if __name__ == "__main__":
    import jax
    _d = setup_inputs()
    print(jax.jit(kernel)(*tuple(_d.values())))

</pallas_src>

<mosaic_0001>
module attributes {stable_mosaic.version = 14 : i64} {
  func.func @_attrs_key_body(%arg0: i32, %arg1: memref<20xf32, #tpu.memory_space<smem>>, %arg2: memref<3x64x512xf32, #tpu.memory_space<vmem>>, %arg3: memref<7x64x512xf32, #tpu.memory_space<vmem>>, %arg4: memref<16x64x512xf32, #tpu.memory_space<vmem>>, %arg5: memref<64x512xi32, #tpu.memory_space<vmem>>) attributes {dimension_semantics = [#tpu.dimension_semantics<arbitrary>], iteration_bounds = array<i64: 31>, scalar_prefetch = 0 : i64, scratch_operands = 0 : i64, tpu.core_type = #tpu.core_type<tc>, window_params = [{transform_indices = @transform_0, window_bounds = array<i64: 20>}, {transform_indices = @transform_1, window_bounds = array<i64: 3, 64, 512>}, {transform_indices = @transform_2, window_bounds = array<i64: 7, 64, 512>}, {transform_indices = @transform_3, window_bounds = array<i64: 16, 64, 512>}, {transform_indices = @transform_4, window_bounds = array<i64: 64, 512>}]} {
    %get3A = arith.constant 0 : index
    %get3A_0 = arith.constant 0 : index
    %get3A_1 = arith.constant 0 : index
    %get3A_2 = vector.load %arg2[%get3A, %get3A_0, %get3A_1] : memref<3x64x512xf32, #tpu.memory_space<vmem>>, vector<1x64x512xf32>
    %get3A_3 = vector.shape_cast %get3A_2 : vector<1x64x512xf32> to vector<64x512xf32>
    %get3A_4 = arith.constant 1 : index
    %get3A_5 = arith.constant 0 : index
    %get3A_6 = arith.constant 0 : index
    %get3A_7 = vector.load %arg2[%get3A_4, %get3A_5, %get3A_6] : memref<3x64x512xf32, #tpu.memory_space<vmem>>, vector<1x64x512xf32>
    %get3A_8 = vector.shape_cast %get3A_7 : vector<1x64x512xf32> to vector<64x512xf32>
    %get3A_9 = arith.constant 2 : index
    %get3A_10 = arith.constant 0 : index
    %get3A_11 = arith.constant 0 : index
    %get3A_12 = vector.load %arg2[%get3A_9, %get3A_10, %get3A_11] : memref<3x64x512xf32, #tpu.memory_space<vmem>>, vector<1x64x512xf32>
    %get3A_13 = vector.shape_cast %get3A_12 : vector<1x64x512xf32> to vector<64x512xf32>
    %get3A_14 = arith.constant 12 : index
    %get3A_15 = memref.load %arg1[%get3A_14] : memref<20xf32, #tpu.memory_space<smem>>
    %get3A_16 = arith.constant 13 : index
    %get3A_17 = memref.load %arg1[%get3A_16] : memref<20xf32, #tpu.memory_space<smem>>
    %get3A_18 = arith.constant 14 : index
    %get3A_19 = memref.load %arg1[%get3A_18] : memref<20xf32, #tpu.memory_space<smem>>
    %get3A_20 = arith.constant 15 : index
    %get3A_21 = memref.load %arg1[%get3A_20] : memref<20xf32, #tpu.memory_space<smem>>
    %get3A_22 = arith.constant 16 : index
    %get3A_23 = memref.load %arg1[%get3A_22] : memref<20xf32, #tpu.memory_space<smem>>
    %get3A_24 = arith.constant 17 : index
    %get3A_25 = memref.load %arg1[%get3A_24] : memref<20xf32, #tpu.memory_space<smem>>
    %get3A_26 = arith.constant 18 : index
    %get3A_27 = memref.load %arg1[%get3A_26] : memref<20xf32, #tpu.memory_space<smem>>
    %get3A_28 = arith.constant 19 : index
    %get3A_29 = memref.load %arg1[%get3A_28] : memref<20xf32, #tpu.memory_space<smem>>
    %convert_element_type3A = arith.fptosi %get3A_29 : f32 to i32
    %shift_left3A = arith.constant 17 : i32
    %shift_left3A_30 = arith.shli %convert_element_type3A, %shift_left3A : i32
    %abs3A = math.absf %get3A_13 : vector<64x512xf32>
    %gt3A = arith.constant 9.99999997E-7 : f32
    %gt3A_31 = vector.broadcast %gt3A : f32 to vector<64x512xf32>
    %gt3A_32 = arith.cmpf ogt, %abs3A, %gt3A_31 : vector<64x512xf32>
    %jit3A = arith.constant 9.99999997E-7 : f32
    %broadcast_in_dim3A = vector.broadcast %jit3A : f32 to vector<64x512xf32>
    %select_n3A = arith.select %gt3A_32, %get3A_13, %broadcast_in_dim3A : vector<64x512xi1>, vector<64x512xf32>
    %mul3A = vector.broadcast %get3A_15 : f32 to vector<64x512xf32>
    %mul3A_33 = arith.mulf %mul3A, %get3A_3 : vector<64x512xf32>
    %div3A = arith.divf %mul3A_33, %select_n3A : vector<64x512xf32>
    %add3A = vector.broadcast %get3A_19 : f32 to vector<64x512xf32>
    %add3A_34 = arith.addf %div3A, %add3A : vector<64x512xf32>
    %mul3A_35 = vector.broadcast %get3A_17 : f32 to vector<64x512xf32>
    %mul3A_36 = arith.mulf %mul3A_35, %get3A_8 : vector<64x512xf32>
    %div3A_37 = arith.divf %mul3A_36, %select_n3A : vector<64x512xf32>
    %add3A_38 = vector.broadcast %get3A_21 : f32 to vector<64x512xf32>
    %add3A_39 = arith.addf %div3A_37, %add3A_38 : vector<64x512xf32>
    %gt3A_40 = arith.constant 8.000000e-01 : f32
    %gt3A_41 = vector.broadcast %gt3A_40 : f32 to vector<64x512xf32>
    %gt3A_42 = arith.cmpf ogt, %get3A_13, %gt3A_41 : vector<64x512xf32>
    %lt3A = arith.constant 1.000000e+03 : f32
    %lt3A_43 = vector.broadcast %lt3A : f32 to vector<64x512xf32>
    %lt3A_44 = arith.cmpf olt, %get3A_13, %lt3A_43 : vector<64x512xf32>
    %and3A = arith.andi %gt3A_42, %lt3A_44 : vector<64x512xi1>
    %ge3A = arith.constant 0.000000e+00 : f32
    %ge3A_45 = vector.broadcast %ge3A : f32 to vector<64x512xf32>
    %ge3A_46 = arith.cmpf oge, %add3A_34, %ge3A_45 : vector<64x512xf32>
    %and3A_47 = arith.andi %and3A, %ge3A_46 : vector<64x512xi1>
    %lt3A_48 = vector.broadcast %get3A_23 : f32 to vector<64x512xf32>
    %lt3A_49 = arith.cmpf olt, %add3A_34, %lt3A_48 : vector<64x512xf32>
    %and3A_50 = arith.andi %and3A_47, %lt3A_49 : vector<64x512xi1>
    %ge3A_51 = arith.constant 0.000000e+00 : f32
    %ge3A_52 = vector.broadcast %ge3A_51 : f32 to vector<64x512xf32>
    %ge3A_53 = arith.cmpf oge, %add3A_39, %ge3A_52 : vector<64x512xf32>
    %and3A_54 = arith.andi %and3A_50, %ge3A_53 : vector<64x512xi1>
    %lt3A_55 = vector.broadcast %get3A_25 : f32 to vector<64x512xf32>
    %lt3A_56 = arith.cmpf olt, %add3A_39, %lt3A_55 : vector<64x512xf32>
    %and3A_57 = arith.andi %and3A_54, %lt3A_56 : vector<64x512xi1>
    %get3A_58 = arith.constant 0 : index
    %get3A_59 = arith.constant 0 : index
    %get3A_60 = arith.constant 0 : index
    %get3A_61 = vector.load %arg3[%get3A_58, %get3A_59, %get3A_60] : memref<7x64x512xf32, #tpu.memory_space<vmem>>, vector<1x64x512xf32>
    %get3A_62 = vector.shape_cast %get3A_61 : vector<1x64x512xf32> to vector<64x512xf32>
    %get3A_63 = arith.constant 1 : index
    %get3A_64 = arith.constant 0 : index
    %get3A_65 = arith.constant 0 : index
    %get3A_66 = vector.load %arg3[%get3A_63, %get3A_64, %get3A_65] : memref<7x64x512xf32, #tpu.memory_space<vmem>>, vector<1x64x512xf32>
    %get3A_67 = vector.shape_cast %get3A_66 : vector<1x64x512xf32> to vector<64x512xf32>
    %get3A_68 = arith.constant 2 : index
    %get3A_69 = arith.constant 0 : index
    %get3A_70 = arith.constant 0 : index
    %get3A_71 = vector.load %arg3[%get3A_68, %get3A_69, %get3A_70] : memref<7x64x512xf32, #tpu.memory_space<vmem>>, vector<1x64x512xf32>
    %get3A_72 = vector.shape_cast %get3A_71 : vector<1x64x512xf32> to vector<64x512xf32>
    %get3A_73 = arith.constant 3 : index
    %get3A_74 = arith.constant 0 : index
    %get3A_75 = arith.constant 0 : index
    %get3A_76 = vector.load %arg3[%get3A_73, %get3A_74, %get3A_75] : memref<7x64x512xf32, #tpu.memory_space<vmem>>, vector<1x64x512xf32>
    %get3A_77 = vector.shape_cast %get3A_76 : vector<1x64x512xf32> to vector<64x512xf32>
    %mul3A_78 = arith.mulf %get3A_62, %get3A_62 : vector<64x512xf32>
    %mul3A_79 = arith.mulf %get3A_67, %get3A_67 : vector<64x512xf32>
    %add3A_80 = arith.addf %mul3A_78, %mul3A_79 : vector<64x512xf32>
    %mul3A_81 = arith.mulf %get3A_72, %get3A_72 : vector<64x512xf32>
    %add3A_82 = arith.addf %add3A_80, %mul3A_81 : vector<64x512xf32>
    %mul3A_83 = arith.mulf %get3A_77, %get3A_77 : vector<64x512xf32>
    %add3A_84 = arith.addf %add3A_82, %mul3A_83 : vector<64x512xf32>
    %sqrt3A = math.sqrt %add3A_84 : vector<64x512xf32>
    %add3A_85 = arith.constant 9.99999993E-9 : f32
    %add3A_86 = vector.broadcast %add3A_85 : f32 to vector<64x512xf32>
    %add3A_87 = arith.addf %sqrt3A, %add3A_86 : vector<64x512xf32>
    %div3A_88 = arith.constant 1.000000e+00 : f32
    %div3A_89 = vector.broadcast %div3A_88 : f32 to vector<64x512xf32>
    %div3A_90 = arith.divf %div3A_89, %add3A_87 : vector<64x512xf32>
    %mul3A_91 = arith.mulf %get3A_62, %div3A_90 : vector<64x512xf32>
    %mul3A_92 = arith.mulf %get3A_67, %div3A_90 : vector<64x512xf32>
    %mul3A_93 = arith.mulf %get3A_72, %div3A_90 : vector<64x512xf32>
    %mul3A_94 = arith.mulf %get3A_77, %div3A_90 : vector<64x512xf32>
    %mul3A_95 = arith.mulf %mul3A_92, %mul3A_92 : vector<64x512xf32>
    %mul3A_96 = arith.mulf %mul3A_93, %mul3A_93 : vector<64x512xf32>
    %add3A_97 = arith.addf %mul3A_95, %mul3A_96 : vector<64x512xf32>
    %mul3A_98 = arith.constant 2.000000e+00 : f32
    %mul3A_99 = vector.broadcast %mul3A_98 : f32 to vector<64x512xf32>
    %mul3A_100 = arith.mulf %mul3A_99, %add3A_97 : vector<64x512xf32>
    %sub3A = arith.constant 1.000000e+00 : f32
    %sub3A_101 = vector.broadcast %sub3A : f32 to vector<64x512xf32>
    %sub3A_102 = arith.subf %sub3A_101, %mul3A_100 : vector<64x512xf32>
    %mul3A_103 = arith.mulf %mul3A_91, %mul3A_92 : vector<64x512xf32>
    %mul3A_104 = arith.mulf %mul3A_94, %mul3A_93 : vector<64x512xf32>
    %sub3A_105 = arith.subf %mul3A_103, %mul3A_104 : vector<64x512xf32>
    %mul3A_106 = arith.constant 2.000000e+00 : f32
    %mul3A_107 = vector.broadcast %mul3A_106 : f32 to vector<64x512xf32>
    %mul3A_108 = arith.mulf %mul3A_107, %sub3A_105 : vector<64x512xf32>
    %mul3A_109 = arith.mulf %mul3A_91, %mul3A_93 : vector<64x512xf32>
    %mul3A_110 = arith.mulf %mul3A_94, %mul3A_92 : vector<64x512xf32>
    %add3A_111 = arith.addf %mul3A_109, %mul3A_110 : vector<64x512xf32>
    %mul3A_112 = arith.constant 2.000000e+00 : f32
    %mul3A_113 = vector.broadcast %mul3A_112 : f32 to vector<64x512xf32>
    %mul3A_114 = arith.mulf %mul3A_113, %add3A_111 : vector<64x512xf32>
    %mul3A_115 = arith.mulf %mul3A_91, %mul3A_92 : vector<64x512xf32>
    %mul3A_116 = arith.mulf %mul3A_94, %mul3A_93 : vector<64x512xf32>
    %add3A_117 = arith.addf %mul3A_115, %mul3A_116 : vector<64x512xf32>
    %mul3A_118 = arith.constant 2.000000e+00 : f32
    %mul3A_119 = vector.broadcast %mul3A_118 : f32 to vector<64x512xf32>
    %mul3A_120 = arith.mulf %mul3A_119, %add3A_117 : vector<64x512xf32>
    %mul3A_121 = arith.mulf %mul3A_91, %mul3A_91 : vector<64x512xf32>
    %mul3A_122 = arith.mulf %mul3A_93, %mul3A_93 : vector<64x512xf32>
    %add3A_123 = arith.addf %mul3A_121, %mul3A_122 : vector<64x512xf32>
    %mul3A_124 = arith.constant 2.000000e+00 : f32
    %mul3A_125 = vector.broadcast %mul3A_124 : f32 to vector<64x512xf32>
    %mul3A_126 = arith.mulf %mul3A_125, %add3A_123 : vector<64x512xf32>
    %sub3A_127 = arith.constant 1.000000e+00 : f32
    %sub3A_128 = vector.broadcast %sub3A_127 : f32 to vector<64x512xf32>
    %sub3A_129 = arith.subf %sub3A_128, %mul3A_126 : vector<64x512xf32>
    %mul3A_130 = arith.mulf %mul3A_92, %mul3A_93 : vector<64x512xf32>
    %mul3A_131 = arith.mulf %mul3A_94, %mul3A_91 : vector<64x512xf32>
    %sub3A_132 = arith.subf %mul3A_130, %mul3A_131 : vector<64x512xf32>
    %mul3A_133 = arith.constant 2.000000e+00 : f32
    %mul3A_134 = vector.broadcast %mul3A_133 : f32 to vector<64x512xf32>
    %mul3A_135 = arith.mulf %mul3A_134, %sub3A_132 : vector<64x512xf32>
    %mul3A_136 = arith.mulf %mul3A_91, %mul3A_93 : vector<64x512xf32>
    %mul3A_137 = arith.mulf %mul3A_94, %mul3A_92 : vector<64x512xf32>
    %sub3A_138 = arith.subf %mul3A_136, %mul3A_137 : vector<64x512xf32>
    %mul3A_139 = arith.constant 2.000000e+00 : f32
    %mul3A_140 = vector.broadcast %mul3A_139 : f32 to vector<64x512xf32>
    %mul3A_141 = arith.mulf %mul3A_140, %sub3A_138 : vector<64x512xf32>
    %mul3A_142 = arith.mulf %mul3A_92, %mul3A_93 : vector<64x512xf32>
    %mul3A_143 = arith.mulf %mul3A_94, %mul3A_91 : vector<64x512xf32>
    %add3A_144 = arith.addf %mul3A_142, %mul3A_143 : vector<64x512xf32>
    %mul3A_145 = arith.constant 2.000000e+00 : f32
    %mul3A_146 = vector.broadcast %mul3A_145 : f32 to vector<64x512xf32>
    %mul3A_147 = arith.mulf %mul3A_146, %add3A_144 : vector<64x512xf32>
    %mul3A_148 = arith.mulf %mul3A_91, %mul3A_91 : vector<64x512xf32>
    %mul3A_149 = arith.mulf %mul3A_92, %mul3A_92 : vector<64x512xf32>
    %add3A_150 = arith.addf %mul3A_148, %mul3A_149 : vector<64x512xf32>
    %mul3A_151 = arith.constant 2.000000e+00 : f32
    %mul3A_152 = vector.broadcast %mul3A_151 : f32 to vector<64x512xf32>
    %mul3A_153 = arith.mulf %mul3A_152, %add3A_150 : vector<64x512xf32>
    %sub3A_154 = arith.constant 1.000000e+00 : f32
    %sub3A_155 = vector.broadcast %sub3A_154 : f32 to vector<64x512xf32>
    %sub3A_156 = arith.subf %sub3A_155, %mul3A_153 : vector<64x512xf32>
    %get3A_157 = arith.constant 4 : index
    %get3A_158 = arith.constant 0 : index
    %get3A_159 = arith.constant 0 : index
    %get3A_160 = vector.load %arg3[%get3A_157, %get3A_158, %get3A_159] : memref<7x64x512xf32, #tpu.memory_space<vmem>>, vector<1x64x512xf32>
    %get3A_161 = vector.shape_cast %get3A_160 : vector<1x64x512xf32> to vector<64x512xf32>
    %exp3A = math.exp %get3A_161 : vector<64x512xf32>
    %get3A_162 = arith.constant 5 : index
    %get3A_163 = arith.constant 0 : index
    %get3A_164 = arith.constant 0 : index
    %get3A_165 = vector.load %arg3[%get3A_162, %get3A_163, %get3A_164] : memref<7x64x512xf32, #tpu.memory_space<vmem>>, vector<1x64x512xf32>
    %get3A_166 = vector.shape_cast %get3A_165 : vector<1x64x512xf32> to vector<64x512xf32>
    %exp3A_167 = math.exp %get3A_166 : vector<64x512xf32>
    %get3A_168 = arith.constant 6 : index
    %get3A_169 = arith.constant 0 : index
    %get3A_170 = arith.constant 0 : index
    %get3A_171 = vector.load %arg3[%get3A_168, %get3A_169, %get3A_170] : memref<7x64x512xf32, #tpu.memory_space<vmem>>, vector<1x64x512xf32>
    %get3A_172 = vector.shape_cast %get3A_171 : vector<1x64x512xf32> to vector<64x512xf32>
    %exp3A_173 = math.exp %get3A_172 : vector<64x512xf32>
    %mul3A_174 = arith.mulf %sub3A_102, %exp3A : vector<64x512xf32>
    %mul3A_175 = arith.mulf %mul3A_108, %exp3A_167 : vector<64x512xf32>
    %mul3A_176 = arith.mulf %mul3A_114, %exp3A_173 : vector<64x512xf32>
    %mul3A_177 = arith.mulf %mul3A_120, %exp3A : vector<64x512xf32>
    %mul3A_178 = arith.mulf %sub3A_129, %exp3A_167 : vector<64x512xf32>
    %mul3A_179 = arith.mulf %mul3A_135, %exp3A_173 : vector<64x512xf32>
    %mul3A_180 = arith.mulf %mul3A_141, %exp3A : vector<64x512xf32>
    %mul3A_181 = arith.mulf %mul3A_147, %exp3A_167 : vector<64x512xf32>
    %mul3A_182 = arith.mulf %sub3A_156, %exp3A_173 : vector<64x512xf32>
    %convert_element_type3A_183 = arith.truncf %mul3A_174 : vector<64x512xf32> to vector<64x512xbf16>
    %convert_element_type3A_184 = arith.extf %convert_element_type3A_183 : vector<64x512xbf16> to vector<64x512xf32>
    %convert_element_type3A_185 = arith.truncf %mul3A_175 : vector<64x512xf32> to vector<64x512xbf16>
    %convert_element_type3A_186 = arith.extf %convert_element_type3A_185 : vector<64x512xbf16> to vector<64x512xf32>
    %convert_element_type3A_187 = arith.truncf %mul3A_176 : vector<64x512xf32> to vector<64x512xbf16>
    %convert_element_type3A_188 = arith.extf %convert_element_type3A_187 : vector<64x512xbf16> to vector<64x512xf32>
    %convert_element_type3A_189 = arith.truncf %mul3A_177 : vector<64x512xf32> to vector<64x512xbf16>
    %convert_element_type3A_190 = arith.extf %convert_element_type3A_189 : vector<64x512xbf16> to vector<64x512xf32>
    %convert_element_type3A_191 = arith.truncf %mul3A_178 : vector<64x512xf32> to vector<64x512xbf16>
    %convert_element_type3A_192 = arith.extf %convert_element_type3A_191 : vector<64x512xbf16> to vector<64x512xf32>
    %convert_element_type3A_193 = arith.truncf %mul3A_179 : vector<64x512xf32> to vector<64x512xbf16>
    %convert_element_type3A_194 = arith.extf %convert_element_type3A_193 : vector<64x512xbf16> to vector<64x512xf32>
    %convert_element_type3A_195 = arith.truncf %mul3A_180 : vector<64x512xf32> to vector<64x512xbf16>
    %convert_element_type3A_196 = arith.extf %convert_element_type3A_195 : vector<64x512xbf16> to vector<64x512xf32>
    %convert_element_type3A_197 = arith.truncf %mul3A_181 : vector<64x512xf32> to vector<64x512xbf16>
    %convert_element_type3A_198 = arith.extf %convert_element_type3A_197 : vector<64x512xbf16> to vector<64x512xf32>
    %convert_element_type3A_199 = arith.truncf %mul3A_182 : vector<64x512xf32> to vector<64x512xbf16>
    %convert_element_type3A_200 = arith.extf %convert_element_type3A_199 : vector<64x512xbf16> to vector<64x512xf32>
    %mul3A_201 = arith.mulf %convert_element_type3A_184, %convert_element_type3A_184 : vector<64x512xf32>
    %mul3A_202 = arith.mulf %convert_element_type3A_186, %convert_element_type3A_186 : vector<64x512xf32>
    %add3A_203 = arith.addf %mul3A_201, %mul3A_202 : vector<64x512xf32>
    %mul3A_204 = arith.mulf %convert_element_type3A_188, %convert_element_type3A_188 : vector<64x512xf32>
    %add3A_205 = arith.addf %add3A_203, %mul3A_204 : vector<64x512xf32>
    %mul3A_206 = arith.mulf %convert_element_type3A_184, %convert_element_type3A_190 : vector<64x512xf32>
    %mul3A_207 = arith.mulf %convert_element_type3A_186, %convert_element_type3A_192 : vector<64x512xf32>
    %add3A_208 = arith.addf %mul3A_206, %mul3A_207 : vector<64x512xf32>
    %mul3A_209 = arith.mulf %convert_element_type3A_188, %convert_element_type3A_194 : vector<64x512xf32>
    %add3A_210 = arith.addf %add3A_208, %mul3A_209 : vector<64x512xf32>
    %mul3A_211 = arith.mulf %convert_element_type3A_184, %convert_element_type3A_196 : vector<64x512xf32>
    %mul3A_212 = arith.mulf %convert_element_type3A_186, %convert_element_type3A_198 : vector<64x512xf32>
    %add3A_213 = arith.addf %mul3A_211, %mul3A_212 : vector<64x512xf32>
    %mul3A_214 = arith.mulf %convert_element_type3A_188, %convert_element_type3A_200 : vector<64x512xf32>
    %add3A_215 = arith.addf %add3A_213, %mul3A_214 : vector<64x512xf32>
    %mul3A_216 = arith.mulf %convert_element_type3A_190, %convert_element_type3A_190 : vector<64x512xf32>
    %mul3A_217 = arith.mulf %convert_element_type3A_192, %convert_element_type3A_192 : vector<64x512xf32>
    %add3A_218 = arith.addf %mul3A_216, %mul3A_217 : vector<64x512xf32>
    %mul3A_219 = arith.mulf %convert_element_type3A_194, %convert_element_type3A_194 : vector<64x512xf32>
    %add3A_220 = arith.addf %add3A_218, %mul3A_219 : vector<64x512xf32>
    %mul3A_221 = arith.mulf %convert_element_type3A_190, %convert_element_type3A_196 : vector<64x512xf32>
    %mul3A_222 = arith.mulf %convert_element_type3A_192, %convert_element_type3A_198 : vector<64x512xf32>
    %add3A_223 = arith.addf %mul3A_221, %mul3A_222 : vector<64x512xf32>
    %mul3A_224 = arith.mulf %convert_element_type3A_194, %convert_element_type3A_200 : vector<64x512xf32>
    %add3A_225 = arith.addf %add3A_223, %mul3A_224 : vector<64x512xf32>
    %mul3A_226 = arith.mulf %convert_element_type3A_196, %convert_element_type3A_196 : vector<64x512xf32>
    %mul3A_227 = arith.mulf %convert_element_type3A_198, %convert_element_type3A_198 : vector<64x512xf32>
    %add3A_228 = arith.addf %mul3A_226, %mul3A_227 : vector<64x512xf32>
    %mul3A_229 = arith.mulf %convert_element_type3A_200, %convert_element_type3A_200 : vector<64x512xf32>
    %add3A_230 = arith.addf %add3A_228, %mul3A_229 : vector<64x512xf32>
    %get3A_231 = arith.constant 0 : index
    %get3A_232 = memref.load %arg1[%get3A_231] : memref<20xf32, #tpu.memory_space<smem>>
    %convert_element_type3A_233 = arith.truncf %get3A_232 : f32 to bf16
    %convert_element_type3A_234 = arith.extf %convert_element_type3A_233 : bf16 to f32
    %get3A_235 = arith.constant 1 : index
    %get3A_236 = memref.load %arg1[%get3A_235] : memref<20xf32, #tpu.memory_space<smem>>
    %convert_element_type3A_237 = arith.truncf %get3A_236 : f32 to bf16
    %convert_element_type3A_238 = arith.extf %convert_element_type3A_237 : bf16 to f32
    %get3A_239 = arith.constant 2 : index
    %get3A_240 = memref.load %arg1[%get3A_239] : memref<20xf32, #tpu.memory_space<smem>>
    %convert_element_type3A_241 = arith.truncf %get3A_240 : f32 to bf16
    %convert_element_type3A_242 = arith.extf %convert_element_type3A_241 : bf16 to f32
    %get3A_243 = arith.constant 3 : index
    %get3A_244 = memref.load %arg1[%get3A_243] : memref<20xf32, #tpu.memory_space<smem>>
    %convert_element_type3A_245 = arith.truncf %get3A_244 : f32 to bf16
    %convert_element_type3A_246 = arith.extf %convert_element_type3A_245 : bf16 to f32
    %get3A_247 = arith.constant 4 : index
    %get3A_248 = memref.load %arg1[%get3A_247] : memref<20xf32, #tpu.memory_space<smem>>
    %convert_element_type3A_249 = arith.truncf %get3A_248 : f32 to bf16
    %convert_element_type3A_250 = arith.extf %convert_element_type3A_249 : bf16 to f32
    %get3A_251 = arith.constant 5 : index
    %get3A_252 = memref.load %arg1[%get3A_251] : memref<20xf32, #tpu.memory_space<smem>>
    %convert_element_type3A_253 = arith.truncf %get3A_252 : f32 to bf16
    %convert_element_type3A_254 = arith.extf %convert_element_type3A_253 : bf16 to f32
    %get3A_255 = arith.constant 6 : index
    %get3A_256 = memref.load %arg1[%get3A_255] : memref<20xf32, #tpu.memory_space<smem>>
    %convert_element_type3A_257 = arith.truncf %get3A_256 : f32 to bf16
    %convert_element_type3A_258 = arith.extf %convert_element_type3A_257 : bf16 to f32
    %get3A_259 = arith.constant 7 : index
    %get3A_260 = memref.load %arg1[%get3A_259] : memref<20xf32, #tpu.memory_space<smem>>
    %convert_element_type3A_261 = arith.truncf %get3A_260 : f32 to bf16
    %convert_element_type3A_262 = arith.extf %convert_element_type3A_261 : bf16 to f32
    %get3A_263 = arith.constant 8 : index
    %get3A_264 = memref.load %arg1[%get3A_263] : memref<20xf32, #tpu.memory_space<smem>>
    %convert_element_type3A_265 = arith.truncf %get3A_264 : f32 to bf16
    %convert_element_type3A_266 = arith.extf %convert_element_type3A_265 : bf16 to f32
    %convert_element_type3A_267 = arith.truncf %add3A_205 : vector<64x512xf32> to vector<64x512xbf16>
    %convert_element_type3A_268 = arith.extf %convert_element_type3A_267 : vector<64x512xbf16> to vector<64x512xf32>
    %convert_element_type3A_269 = arith.truncf %add3A_210 : vector<64x512xf32> to vector<64x512xbf16>
    %convert_element_type3A_270 = arith.extf %convert_element_type3A_269 : vector<64x512xbf16> to vector<64x512xf32>
    %convert_element_type3A_271 = arith.truncf %add3A_215 : vector<64x512xf32> to vector<64x512xbf16>
    %convert_element_type3A_272 = arith.extf %convert_element_type3A_271 : vector<64x512xbf16> to vector<64x512xf32>
    %convert_element_type3A_273 = arith.truncf %add3A_220 : vector<64x512xf32> to vector<64x512xbf16>
    %convert_element_type3A_274 = arith.extf %convert_element_type3A_273 : vector<64x512xbf16> to vector<64x512xf32>
    %convert_element_type3A_275 = arith.truncf %add3A_225 : vector<64x512xf32> to vector<64x512xbf16>
    %convert_element_type3A_276 = arith.extf %convert_element_type3A_275 : vector<64x512xbf16> to vector<64x512xf32>
    %convert_element_type3A_277 = arith.truncf %add3A_230 : vector<64x512xf32> to vector<64x512xbf16>
    %convert_element_type3A_278 = arith.extf %convert_element_type3A_277 : vector<64x512xbf16> to vector<64x512xf32>
    %mul3A_279 = vector.broadcast %convert_element_type3A_234 : f32 to vector<64x512xf32>
    %mul3A_280 = arith.mulf %mul3A_279, %convert_element_type3A_268 : vector<64x512xf32>
    %mul3A_281 = vector.broadcast %convert_element_type3A_238 : f32 to vector<64x512xf32>
    %mul3A_282 = arith.mulf %mul3A_281, %convert_element_type3A_270 : vector<64x512xf32>
    %add3A_283 = arith.addf %mul3A_280, %mul3A_282 : vector<64x512xf32>
    %mul3A_284 = vector.broadcast %convert_element_type3A_242 : f32 to vector<64x512xf32>
    %mul3A_285 = arith.mulf %mul3A_284, %convert_element_type3A_272 : vector<64x512xf32>
    %add3A_286 = arith.addf %add3A_283, %mul3A_285 : vector<64x512xf32>
    %mul3A_287 = vector.broadcast %convert_element_type3A_234 : f32 to vector<64x512xf32>
    %mul3A_288 = arith.mulf %mul3A_287, %convert_element_type3A_270 : vector<64x512xf32>
    %mul3A_289 = vector.broadcast %convert_element_type3A_238 : f32 to vector<64x512xf32>
    %mul3A_290 = arith.mulf %mul3A_289, %convert_element_type3A_274 : vector<64x512xf32>
    %add3A_291 = arith.addf %mul3A_288, %mul3A_290 : vector<64x512xf32>
    %mul3A_292 = vector.broadcast %convert_element_type3A_242 : f32 to vector<64x512xf32>
    %mul3A_293 = arith.mulf %mul3A_292, %convert_element_type3A_276 : vector<64x512xf32>
    %add3A_294 = arith.addf %add3A_291, %mul3A_293 : vector<64x512xf32>
    %mul3A_295 = vector.broadcast %convert_element_type3A_234 : f32 to vector<64x512xf32>
    %mul3A_296 = arith.mulf %mul3A_295, %convert_element_type3A_272 : vector<64x512xf32>
    %mul3A_297 = vector.broadcast %convert_element_type3A_238 : f32 to vector<64x512xf32>
    %mul3A_298 = arith.mulf %mul3A_297, %convert_element_type3A_276 : vector<64x512xf32>
    %add3A_299 = arith.addf %mul3A_296, %mul3A_298 : vector<64x512xf32>
    %mul3A_300 = vector.broadcast %convert_element_type3A_242 : f32 to vector<64x512xf32>
    %mul3A_301 = arith.mulf %mul3A_300, %convert_element_type3A_278 : vector<64x512xf32>
    %add3A_302 = arith.addf %add3A_299, %mul3A_301 : vector<64x512xf32>
    %mul3A_303 = vector.broadcast %convert_element_type3A_246 : f32 to vector<64x512xf32>
    %mul3A_304 = arith.mulf %mul3A_303, %convert_element_type3A_268 : vector<64x512xf32>
    %mul3A_305 = vector.broadcast %convert_element_type3A_250 : f32 to vector<64x512xf32>
    %mul3A_306 = arith.mulf %mul3A_305, %convert_element_type3A_270 : vector<64x512xf32>
    %add3A_307 = arith.addf %mul3A_304, %mul3A_306 : vector<64x512xf32>
    %mul3A_308 = vector.broadcast %convert_element_type3A_254 : f32 to vector<64x512xf32>
    %mul3A_309 = arith.mulf %mul3A_308, %convert_element_type3A_272 : vector<64x512xf32>
    %add3A_310 = arith.addf %add3A_307, %mul3A_309 : vector<64x512xf32>
    %mul3A_311 = vector.broadcast %convert_element_type3A_246 : f32 to vector<64x512xf32>
    %mul3A_312 = arith.mulf %mul3A_311, %convert_element_type3A_270 : vector<64x512xf32>
    %mul3A_313 = vector.broadcast %convert_element_type3A_250 : f32 to vector<64x512xf32>
    %mul3A_314 = arith.mulf %mul3A_313, %convert_element_type3A_274 : vector<64x512xf32>
    %add3A_315 = arith.addf %mul3A_312, %mul3A_314 : vector<64x512xf32>
    %mul3A_316 = vector.broadcast %convert_element_type3A_254 : f32 to vector<64x512xf32>
    %mul3A_317 = arith.mulf %mul3A_316, %convert_element_type3A_276 : vector<64x512xf32>
    %add3A_318 = arith.addf %add3A_315, %mul3A_317 : vector<64x512xf32>
    %mul3A_319 = vector.broadcast %convert_element_type3A_246 : f32 to vector<64x512xf32>
    %mul3A_320 = arith.mulf %mul3A_319, %convert_element_type3A_272 : vector<64x512xf32>
    %mul3A_321 = vector.broadcast %convert_element_type3A_250 : f32 to vector<64x512xf32>
    %mul3A_322 = arith.mulf %mul3A_321, %convert_element_type3A_276 : vector<64x512xf32>
    %add3A_323 = arith.addf %mul3A_320, %mul3A_322 : vector<64x512xf32>
    %mul3A_324 = vector.broadcast %convert_element_type3A_254 : f32 to vector<64x512xf32>
    %mul3A_325 = arith.mulf %mul3A_324, %convert_element_type3A_278 : vector<64x512xf32>
    %add3A_326 = arith.addf %add3A_323, %mul3A_325 : vector<64x512xf32>
    %mul3A_327 = vector.broadcast %convert_element_type3A_258 : f32 to vector<64x512xf32>
    %mul3A_328 = arith.mulf %mul3A_327, %convert_element_type3A_268 : vector<64x512xf32>
    %mul3A_329 = vector.broadcast %convert_element_type3A_262 : f32 to vector<64x512xf32>
    %mul3A_330 = arith.mulf %mul3A_329, %convert_element_type3A_270 : vector<64x512xf32>
    %add3A_331 = arith.addf %mul3A_328, %mul3A_330 : vector<64x512xf32>
    %mul3A_332 = vector.broadcast %convert_element_type3A_266 : f32 to vector<64x512xf32>
    %mul3A_333 = arith.mulf %mul3A_332, %convert_element_type3A_272 : vector<64x512xf32>
    %add3A_334 = arith.addf %add3A_331, %mul3A_333 : vector<64x512xf32>
    %mul3A_335 = vector.broadcast %convert_element_type3A_258 : f32 to vector<64x512xf32>
    %mul3A_336 = arith.mulf %mul3A_335, %convert_element_type3A_270 : vector<64x512xf32>
    %mul3A_337 = vector.broadcast %convert_element_type3A_262 : f32 to vector<64x512xf32>
    %mul3A_338 = arith.mulf %mul3A_337, %convert_element_type3A_274 : vector<64x512xf32>
    %add3A_339 = arith.addf %mul3A_336, %mul3A_338 : vector<64x512xf32>
    %mul3A_340 = vector.broadcast %convert_element_type3A_266 : f32 to vector<64x512xf32>
    %mul3A_341 = arith.mulf %mul3A_340, %convert_element_type3A_276 : vector<64x512xf32>
    %add3A_342 = arith.addf %add3A_339, %mul3A_341 : vector<64x512xf32>
    %mul3A_343 = vector.broadcast %convert_element_type3A_258 : f32 to vector<64x512xf32>
    %mul3A_344 = arith.mulf %mul3A_343, %convert_element_type3A_272 : vector<64x512xf32>
    %mul3A_345 = vector.broadcast %convert_element_type3A_262 : f32 to vector<64x512xf32>
    %mul3A_346 = arith.mulf %mul3A_345, %convert_element_type3A_276 : vector<64x512xf32>
    %add3A_347 = arith.addf %mul3A_344, %mul3A_346 : vector<64x512xf32>
    %mul3A_348 = vector.broadcast %convert_element_type3A_266 : f32 to vector<64x512xf32>
    %mul3A_349 = arith.mulf %mul3A_348, %convert_element_type3A_278 : vector<64x512xf32>
    %add3A_350 = arith.addf %add3A_347, %mul3A_349 : vector<64x512xf32>
    %convert_element_type3A_351 = arith.truncf %add3A_286 : vector<64x512xf32> to vector<64x512xbf16>
    %convert_element_type3A_352 = arith.extf %convert_element_type3A_351 : vector<64x512xbf16> to vector<64x512xf32>
    %convert_element_type3A_353 = arith.truncf %add3A_294 : vector<64x512xf32> to vector<64x512xbf16>
    %convert_element_type3A_354 = arith.extf %convert_element_type3A_353 : vector<64x512xbf16> to vector<64x512xf32>
    %convert_element_type3A_355 = arith.truncf %add3A_302 : vector<64x512xf32> to vector<64x512xbf16>
    %convert_element_type3A_356 = arith.extf %convert_element_type3A_355 : vector<64x512xbf16> to vector<64x512xf32>
    %convert_element_type3A_357 = arith.truncf %add3A_310 : vector<64x512xf32> to vector<64x512xbf16>
    %convert_element_type3A_358 = arith.extf %convert_element_type3A_357 : vector<64x512xbf16> to vector<64x512xf32>
    %convert_element_type3A_359 = arith.truncf %add3A_318 : vector<64x512xf32> to vector<64x512xbf16>
    %convert_element_type3A_360 = arith.extf %convert_element_type3A_359 : vector<64x512xbf16> to vector<64x512xf32>
    %convert_element_type3A_361 = arith.truncf %add3A_326 : vector<64x512xf32> to vector<64x512xbf16>
    %convert_element_type3A_362 = arith.extf %convert_element_type3A_361 : vector<64x512xbf16> to vector<64x512xf32>
    %convert_element_type3A_363 = arith.truncf %add3A_334 : vector<64x512xf32> to vector<64x512xbf16>
    %convert_element_type3A_364 = arith.extf %convert_element_type3A_363 : vector<64x512xbf16> to vector<64x512xf32>
    %convert_element_type3A_365 = arith.truncf %add3A_342 : vector<64x512xf32> to vector<64x512xbf16>
    %convert_element_type3A_366 = arith.extf %convert_element_type3A_365 : vector<64x512xbf16> to vector<64x512xf32>
    %convert_element_type3A_367 = arith.truncf %add3A_350 : vector<64x512xf32> to vector<64x512xbf16>
    %convert_element_type3A_368 = arith.extf %convert_element_type3A_367 : vector<64x512xbf16> to vector<64x512xf32>
    %mul3A_369 = vector.broadcast %convert_element_type3A_234 : f32 to vector<64x512xf32>
    %mul3A_370 = arith.mulf %convert_element_type3A_352, %mul3A_369 : vector<64x512xf32>
    %mul3A_371 = vector.broadcast %convert_element_type3A_238 : f32 to vector<64x512xf32>
    %mul3A_372 = arith.mulf %convert_element_type3A_354, %mul3A_371 : vector<64x512xf32>
    %add3A_373 = arith.addf %mul3A_370, %mul3A_372 : vector<64x512xf32>
    %mul3A_374 = vector.broadcast %convert_element_type3A_242 : f32 to vector<64x512xf32>
    %mul3A_375 = arith.mulf %convert_element_type3A_356, %mul3A_374 : vector<64x512xf32>
    %add3A_376 = arith.addf %add3A_373, %mul3A_375 : vector<64x512xf32>
    %mul3A_377 = vector.broadcast %convert_element_type3A_246 : f32 to vector<64x512xf32>
    %mul3A_378 = arith.mulf %convert_element_type3A_352, %mul3A_377 : vector<64x512xf32>
    %mul3A_379 = vector.broadcast %convert_element_type3A_250 : f32 to vector<64x512xf32>
    %mul3A_380 = arith.mulf %convert_element_type3A_354, %mul3A_379 : vector<64x512xf32>
    %add3A_381 = arith.addf %mul3A_378, %mul3A_380 : vector<64x512xf32>
    %mul3A_382 = vector.broadcast %convert_element_type3A_254 : f32 to vector<64x512xf32>
    %mul3A_383 = arith.mulf %convert_element_type3A_356, %mul3A_382 : vector<64x512xf32>
    %add3A_384 = arith.addf %add3A_381, %mul3A_383 : vector<64x512xf32>
    %mul3A_385 = vector.broadcast %convert_element_type3A_258 : f32 to vector<64x512xf32>
    %mul3A_386 = arith.mulf %convert_element_type3A_352, %mul3A_385 : vector<64x512xf32>
    %mul3A_387 = vector.broadcast %convert_element_type3A_262 : f32 to vector<64x512xf32>
    %mul3A_388 = arith.mulf %convert_element_type3A_354, %mul3A_387 : vector<64x512xf32>
    %add3A_389 = arith.addf %mul3A_386, %mul3A_388 : vector<64x512xf32>
    %mul3A_390 = vector.broadcast %convert_element_type3A_266 : f32 to vector<64x512xf32>
    %mul3A_391 = arith.mulf %convert_element_type3A_356, %mul3A_390 : vector<64x512xf32>
    %add3A_392 = arith.addf %add3A_389, %mul3A_391 : vector<64x512xf32>
    %mul3A_393 = vector.broadcast %convert_element_type3A_234 : f32 to vector<64x512xf32>
    %mul3A_394 = arith.mulf %convert_element_type3A_358, %mul3A_393 : vector<64x512xf32>
    %mul3A_395 = vector.broadcast %convert_element_type3A_238 : f32 to vector<64x512xf32>
    %mul3A_396 = arith.mulf %convert_element_type3A_360, %mul3A_395 : vector<64x512xf32>
    %add3A_397 = arith.addf %mul3A_394, %mul3A_396 : vector<64x512xf32>
    %mul3A_398 = vector.broadcast %convert_element_type3A_242 : f32 to vector<64x512xf32>
    %mul3A_399 = arith.mulf %convert_element_type3A_362, %mul3A_398 : vector<64x512xf32>
    %add3A_400 = arith.addf %add3A_397, %mul3A_399 : vector<64x512xf32>
    %mul3A_401 = vector.broadcast %convert_element_type3A_246 : f32 to vector<64x512xf32>
    %mul3A_402 = arith.mulf %convert_element_type3A_358, %mul3A_401 : vector<64x512xf32>
    %mul3A_403 = vector.broadcast %convert_element_type3A_250 : f32 to vector<64x512xf32>
    %mul3A_404 = arith.mulf %convert_element_type3A_360, %mul3A_403 : vector<64x512xf32>
    %add3A_405 = arith.addf %mul3A_402, %mul3A_404 : vector<64x512xf32>
    %mul3A_406 = vector.broadcast %convert_element_type3A_254 : f32 to vector<64x512xf32>
    %mul3A_407 = arith.mulf %convert_element_type3A_362, %mul3A_406 : vector<64x512xf32>
    %add3A_408 = arith.addf %add3A_405, %mul3A_407 : vector<64x512xf32>
    %mul3A_409 = vector.broadcast %convert_element_type3A_258 : f32 to vector<64x512xf32>
    %mul3A_410 = arith.mulf %convert_element_type3A_358, %mul3A_409 : vector<64x512xf32>
    %mul3A_411 = vector.broadcast %convert_element_type3A_262 : f32 to vector<64x512xf32>
    %mul3A_412 = arith.mulf %convert_element_type3A_360, %mul3A_411 : vector<64x512xf32>
    %add3A_413 = arith.addf %mul3A_410, %mul3A_412 : vector<64x512xf32>
    %mul3A_414 = vector.broadcast %convert_element_type3A_266 : f32 to vector<64x512xf32>
    %mul3A_415 = arith.mulf %convert_element_type3A_362, %mul3A_414 : vector<64x512xf32>
    %add3A_416 = arith.addf %add3A_413, %mul3A_415 : vector<64x512xf32>
    %mul3A_417 = vector.broadcast %convert_element_type3A_234 : f32 to vector<64x512xf32>
    %mul3A_418 = arith.mulf %convert_element_type3A_364, %mul3A_417 : vector<64x512xf32>
    %mul3A_419 = vector.broadcast %convert_element_type3A_238 : f32 to vector<64x512xf32>
    %mul3A_420 = arith.mulf %convert_element_type3A_366, %mul3A_419 : vector<64x512xf32>
    %add3A_421 = arith.addf %mul3A_418, %mul3A_420 : vector<64x512xf32>
    %mul3A_422 = vector.broadcast %convert_element_type3A_242 : f32 to vector<64x512xf32>
    %mul3A_423 = arith.mulf %convert_element_type3A_368, %mul3A_422 : vector<64x512xf32>
    %add3A_424 = arith.addf %add3A_421, %mul3A_423 : vector<64x512xf32>
    %mul3A_425 = vector.broadcast %convert_element_type3A_246 : f32 to vector<64x512xf32>
    %mul3A_426 = arith.mulf %convert_element_type3A_364, %mul3A_425 : vector<64x512xf32>
    %mul3A_427 = vector.broadcast %convert_element_type3A_250 : f32 to vector<64x512xf32>
    %mul3A_428 = arith.mulf %convert_element_type3A_366, %mul3A_427 : vector<64x512xf32>
    %add3A_429 = arith.addf %mul3A_426, %mul3A_428 : vector<64x512xf32>
    %mul3A_430 = vector.broadcast %convert_element_type3A_254 : f32 to vector<64x512xf32>
    %mul3A_431 = arith.mulf %convert_element_type3A_368, %mul3A_430 : vector<64x512xf32>
    %add3A_432 = arith.addf %add3A_429, %mul3A_431 : vector<64x512xf32>
    %mul3A_433 = vector.broadcast %convert_element_type3A_258 : f32 to vector<64x512xf32>
    %mul3A_434 = arith.mulf %convert_element_type3A_364, %mul3A_433 : vector<64x512xf32>
    %mul3A_435 = vector.broadcast %convert_element_type3A_262 : f32 to vector<64x512xf32>
    %mul3A_436 = arith.mulf %convert_element_type3A_366, %mul3A_435 : vector<64x512xf32>
    %add3A_437 = arith.addf %mul3A_434, %mul3A_436 : vector<64x512xf32>
    %mul3A_438 = vector.broadcast %convert_element_type3A_266 : f32 to vector<64x512xf32>
    %mul3A_439 = arith.mulf %convert_element_type3A_368, %mul3A_438 : vector<64x512xf32>
    %add3A_440 = arith.addf %add3A_437, %mul3A_439 : vector<64x512xf32>
    %div3A_441 = vector.broadcast %get3A_15 : f32 to vector<64x512xf32>
    %div3A_442 = arith.divf %div3A_441, %select_n3A : vector<64x512xf32>
    %neg3A = arith.constant 0.000000e+00 : f32
    %neg3A_443 = arith.subf %neg3A, %get3A_15 : f32
    %mul3A_444 = vector.broadcast %neg3A_443 : f32 to vector<64x512xf32>
    %mul3A_445 = arith.mulf %mul3A_444, %get3A_3 : vector<64x512xf32>
    %mul3A_446 = arith.mulf %select_n3A, %select_n3A : vector<64x512xf32>
    %div3A_447 = arith.divf %mul3A_445, %mul3A_446 : vector<64x512xf32>
    %div3A_448 = vector.broadcast %get3A_17 : f32 to vector<64x512xf32>
    %div3A_449 = arith.divf %div3A_448, %select_n3A : vector<64x512xf32>
    %neg3A_450 = arith.constant 0.000000e+00 : f32
    %neg3A_451 = arith.subf %neg3A_450, %get3A_17 : f32
    %mul3A_452 = vector.broadcast %neg3A_451 : f32 to vector<64x512xf32>
    %mul3A_453 = arith.mulf %mul3A_452, %get3A_8 : vector<64x512xf32>
    %mul3A_454 = arith.mulf %select_n3A, %select_n3A : vector<64x512xf32>
    %div3A_455 = arith.divf %mul3A_453, %mul3A_454 : vector<64x512xf32>
    %convert_element_type3A_456 = arith.truncf %div3A_442 : vector<64x512xf32> to vector<64x512xbf16>
    %convert_element_type3A_457 = arith.extf %convert_element_type3A_456 : vector<64x512xbf16> to vector<64x512xf32>
    %convert_element_type3A_458 = arith.truncf %div3A_447 : vector<64x512xf32> to vector<64x512xbf16>
    %convert_element_type3A_459 = arith.extf %convert_element_type3A_458 : vector<64x512xbf16> to vector<64x512xf32>
    %convert_element_type3A_460 = arith.truncf %div3A_449 : vector<64x512xf32> to vector<64x512xbf16>
    %convert_element_type3A_461 = arith.extf %convert_element_type3A_460 : vector<64x512xbf16> to vector<64x512xf32>
    %convert_element_type3A_462 = arith.truncf %div3A_455 : vector<64x512xf32> to vector<64x512xbf16>
    %convert_element_type3A_463 = arith.extf %convert_element_type3A_462 : vector<64x512xbf16> to vector<64x512xf32>
    %convert_element_type3A_464 = arith.truncf %add3A_376 : vector<64x512xf32> to vector<64x512xbf16>
    %convert_element_type3A_465 = arith.extf %convert_element_type3A_464 : vector<64x512xbf16> to vector<64x512xf32>
    %mul3A_466 = arith.mulf %convert_element_type3A_457, %convert_element_type3A_465 : vector<64x512xf32>
    %convert_element_type3A_467 = arith.truncf %add3A_424 : vector<64x512xf32> to vector<64x512xbf16>
    %convert_element_type3A_468 = arith.extf %convert_element_type3A_467 : vector<64x512xbf16> to vector<64x512xf32>
    %mul3A_469 = arith.mulf %convert_element_type3A_459, %convert_element_type3A_468 : vector<64x512xf32>
    %add3A_470 = arith.addf %mul3A_466, %mul3A_469 : vector<64x512xf32>
    %convert_element_type3A_471 = arith.truncf %add3A_384 : vector<64x512xf32> to vector<64x512xbf16>
    %convert_element_type3A_472 = arith.extf %convert_element_type3A_471 : vector<64x512xbf16> to vector<64x512xf32>
    %mul3A_473 = arith.mulf %convert_element_type3A_457, %convert_element_type3A_472 : vector<64x512xf32>
    %convert_element_type3A_474 = arith.truncf %add3A_432 : vector<64x512xf32> to vector<64x512xbf16>
    %convert_element_type3A_475 = arith.extf %convert_element_type3A_474 : vector<64x512xbf16> to vector<64x512xf32>
    %mul3A_476 = arith.mulf %convert_element_type3A_459, %convert_element_type3A_475 : vector<64x512xf32>
    %add3A_477 = arith.addf %mul3A_473, %mul3A_476 : vector<64x512xf32>
    %convert_element_type3A_478 = arith.truncf %add3A_392 : vector<64x512xf32> to vector<64x512xbf16>
    %convert_element_type3A_479 = arith.extf %convert_element_type3A_478 : vector<64x512xbf16> to vector<64x512xf32>
    %mul3A_480 = arith.mulf %convert_element_type3A_457, %convert_element_type3A_479 : vector<64x512xf32>
    %convert_element_type3A_481 = arith.truncf %add3A_440 : vector<64x512xf32> to vector<64x512xbf16>
    %convert_element_type3A_482 = arith.extf %convert_element_type3A_481 : vector<64x512xbf16> to vector<64x512xf32>
    %mul3A_483 = arith.mulf %convert_element_type3A_459, %convert_element_type3A_482 : vector<64x512xf32>
    %add3A_484 = arith.addf %mul3A_480, %mul3A_483 : vector<64x512xf32>
    %convert_element_type3A_485 = arith.truncf %add3A_400 : vector<64x512xf32> to vector<64x512xbf16>
    %convert_element_type3A_486 = arith.extf %convert_element_type3A_485 : vector<64x512xbf16> to vector<64x512xf32>
    %mul3A_487 = arith.mulf %convert_element_type3A_461, %convert_element_type3A_486 : vector<64x512xf32>
    %convert_element_type3A_488 = arith.truncf %add3A_424 : vector<64x512xf32> to vector<64x512xbf16>
    %convert_element_type3A_489 = arith.extf %convert_element_type3A_488 : vector<64x512xbf16> to vector<64x512xf32>
    %mul3A_490 = arith.mulf %convert_element_type3A_463, %convert_element_type3A_489 : vector<64x512xf32>
    %add3A_491 = arith.addf %mul3A_487, %mul3A_490 : vector<64x512xf32>
    %convert_element_type3A_492 = arith.truncf %add3A_408 : vector<64x512xf32> to vector<64x512xbf16>
    %convert_element_type3A_493 = arith.extf %convert_element_type3A_492 : vector<64x512xbf16> to vector<64x512xf32>
    %mul3A_494 = arith.mulf %convert_element_type3A_461, %convert_element_type3A_493 : vector<64x512xf32>
    %convert_element_type3A_495 = arith.truncf %add3A_432 : vector<64x512xf32> to vector<64x512xbf16>
    %convert_element_type3A_496 = arith.extf %convert_element_type3A_495 : vector<64x512xbf16> to vector<64x512xf32>
    %mul3A_497 = arith.mulf %convert_element_type3A_463, %convert_element_type3A_496 : vector<64x512xf32>
    %add3A_498 = arith.addf %mul3A_494, %mul3A_497 : vector<64x512xf32>
    %convert_element_type3A_499 = arith.truncf %add3A_416 : vector<64x512xf32> to vector<64x512xbf16>
    %convert_element_type3A_500 = arith.extf %convert_element_type3A_499 : vector<64x512xbf16> to vector<64x512xf32>
    %mul3A_501 = arith.mulf %convert_element_type3A_461, %convert_element_type3A_500 : vector<64x512xf32>
    %convert_element_type3A_502 = arith.truncf %add3A_440 : vector<64x512xf32> to vector<64x512xbf16>
    %convert_element_type3A_503 = arith.extf %convert_element_type3A_502 : vector<64x512xbf16> to vector<64x512xf32>
    %mul3A_504 = arith.mulf %convert_element_type3A_463, %convert_element_type3A_503 : vector<64x512xf32>
    %add3A_505 = arith.addf %mul3A_501, %mul3A_504 : vector<64x512xf32>
    %convert_element_type3A_506 = arith.truncf %add3A_470 : vector<64x512xf32> to vector<64x512xbf16>
    %convert_element_type3A_507 = arith.extf %convert_element_type3A_506 : vector<64x512xbf16> to vector<64x512xf32>
    %mul3A_508 = arith.mulf %convert_element_type3A_507, %convert_element_type3A_457 : vector<64x512xf32>
    %convert_element_type3A_509 = arith.truncf %add3A_484 : vector<64x512xf32> to vector<64x512xbf16>
    %convert_element_type3A_510 = arith.extf %convert_element_type3A_509 : vector<64x512xbf16> to vector<64x512xf32>
    %mul3A_511 = arith.mulf %convert_element_type3A_510, %convert_element_type3A_459 : vector<64x512xf32>
    %add3A_512 = arith.addf %mul3A_508, %mul3A_511 : vector<64x512xf32>
    %convert_element_type3A_513 = arith.truncf %add3A_477 : vector<64x512xf32> to vector<64x512xbf16>
    %convert_element_type3A_514 = arith.extf %convert_element_type3A_513 : vector<64x512xbf16> to vector<64x512xf32>
    %mul3A_515 = arith.mulf %convert_element_type3A_514, %convert_element_type3A_461 : vector<64x512xf32>
    %convert_element_type3A_516 = arith.truncf %add3A_484 : vector<64x512xf32> to vector<64x512xbf16>
    %convert_element_type3A_517 = arith.extf %convert_element_type3A_516 : vector<64x512xbf16> to vector<64x512xf32>
    %mul3A_518 = arith.mulf %convert_element_type3A_517, %convert_element_type3A_463 : vector<64x512xf32>
    %add3A_519 = arith.addf %mul3A_515, %mul3A_518 : vector<64x512xf32>
    %convert_element_type3A_520 = arith.truncf %add3A_491 : vector<64x512xf32> to vector<64x512xbf16>
    %convert_element_type3A_521 = arith.extf %convert_element_type3A_520 : vector<64x512xbf16> to vector<64x512xf32>
    %mul3A_522 = arith.mulf %convert_element_type3A_521, %convert_element_type3A_457 : vector<64x512xf32>
    %convert_element_type3A_523 = arith.truncf %add3A_505 : vector<64x512xf32> to vector<64x512xbf16>
    %convert_element_type3A_524 = arith.extf %convert_element_type3A_523 : vector<64x512xbf16> to vector<64x512xf32>
    %mul3A_525 = arith.mulf %convert_element_type3A_524, %convert_element_type3A_459 : vector<64x512xf32>
    %add3A_526 = arith.addf %mul3A_522, %mul3A_525 : vector<64x512xf32>
    %convert_element_type3A_527 = arith.truncf %add3A_498 : vector<64x512xf32> to vector<64x512xbf16>
    %convert_element_type3A_528 = arith.extf %convert_element_type3A_527 : vector<64x512xbf16> to vector<64x512xf32>
    %mul3A_529 = arith.mulf %convert_element_type3A_528, %convert_element_type3A_461 : vector<64x512xf32>
    %convert_element_type3A_530 = arith.truncf %add3A_505 : vector<64x512xf32> to vector<64x512xbf16>
    %convert_element_type3A_531 = arith.extf %convert_element_type3A_530 : vector<64x512xbf16> to vector<64x512xf32>
    %mul3A_532 = arith.mulf %convert_element_type3A_531, %convert_element_type3A_463 : vector<64x512xf32>
    %add3A_533 = arith.addf %mul3A_529, %mul3A_532 : vector<64x512xf32>
    %broadcast_in_dim3A_534 = arith.constant 0.000000e+00 : f32
    %broadcast_in_dim3A_535 = vector.broadcast %broadcast_in_dim3A_534 : f32 to vector<64x512xf32>
    %select_n3A_536 = arith.select %and3A_57, %add3A_34, %broadcast_in_dim3A_535 : vector<64x512xi1>, vector<64x512xf32>
    %swap3A = arith.constant 0 : index
    %swap3A_537 = arith.constant 0 : index
    %swap3A_538 = arith.constant 0 : index
    %swap3A_539 = vector.load %arg4[%swap3A, %swap3A_537, %swap3A_538] : memref<16x64x512xf32, #tpu.memory_space<vmem>>, vector<1x64x512xf32>
    %swap3A_540 = vector.shape_cast %swap3A_539 : vector<1x64x512xf32> to vector<64x512xf32>
    %swap3A_541 = vector.shape_cast %select_n3A_536 : vector<64x512xf32> to vector<1x64x512xf32>
    tpu.vector_store %arg4[%swap3A, %swap3A_537, %swap3A_538], %swap3A_541 {strides = array<i32>} : memref<16x64x512xf32, #tpu.memory_space<vmem>>, vector<1x64x512xf32>,
    %select_n3A_542 = arith.select %and3A_57, %add3A_39, %broadcast_in_dim3A_535 : vector<64x512xi1>, vector<64x512xf32>
    %swap3A_543 = arith.constant 1 : index
    %swap3A_544 = arith.constant 0 : index
    %swap3A_545 = arith.constant 0 : index
    %swap3A_546 = vector.load %arg4[%swap3A_543, %swap3A_544, %swap3A_545] : memref<16x64x512xf32, #tpu.memory_space<vmem>>, vector<1x64x512xf32>
    %swap3A_547 = vector.shape_cast %swap3A_546 : vector<1x64x512xf32> to vector<64x512xf32>
    %swap3A_548 = vector.shape_cast %select_n3A_542 : vector<64x512xf32> to vector<1x64x512xf32>
    tpu.vector_store %arg4[%swap3A_543, %swap3A_544, %swap3A_545], %swap3A_548 {strides = array<i32>} : memref<16x64x512xf32, #tpu.memory_space<vmem>>, vector<1x64x512xf32>,
    %select_n3A_549 = arith.select %and3A_57, %get3A_3, %broadcast_in_dim3A_535 : vector<64x512xi1>, vector<64x512xf32>
    %swap3A_550 = arith.constant 2 : index
    %swap3A_551 = arith.constant 0 : index
    %swap3A_552 = arith.constant 0 : index
    %swap3A_553 = vector.load %arg4[%swap3A_550, %swap3A_551, %swap3A_552] : memref<16x64x512xf32, #tpu.memory_space<vmem>>, vector<1x64x512xf32>
    %swap3A_554 = vector.shape_cast %swap3A_553 : vector<1x64x512xf32> to vector<64x512xf32>
    %swap3A_555 = vector.shape_cast %select_n3A_549 : vector<64x512xf32> to vector<1x64x512xf32>
    tpu.vector_store %arg4[%swap3A_550, %swap3A_551, %swap3A_552], %swap3A_555 {strides = array<i32>} : memref<16x64x512xf32, #tpu.memory_space<vmem>>, vector<1x64x512xf32>,
    %select_n3A_556 = arith.select %and3A_57, %get3A_8, %broadcast_in_dim3A_535 : vector<64x512xi1>, vector<64x512xf32>
    %swap3A_557 = arith.constant 3 : index
    %swap3A_558 = arith.constant 0 : index
    %swap3A_559 = arith.constant 0 : index
    %swap3A_560 = vector.load %arg4[%swap3A_557, %swap3A_558, %swap3A_559] : memref<16x64x512xf32, #tpu.memory_space<vmem>>, vector<1x64x512xf32>
    %swap3A_561 = vector.shape_cast %swap3A_560 : vector<1x64x512xf32> to vector<64x512xf32>
    %swap3A_562 = vector.shape_cast %select_n3A_556 : vector<64x512xf32> to vector<1x64x512xf32>
    tpu.vector_store %arg4[%swap3A_557, %swap3A_558, %swap3A_559], %swap3A_562 {strides = array<i32>} : memref<16x64x512xf32, #tpu.memory_space<vmem>>, vector<1x64x512xf32>,
    %select_n3A_563 = arith.select %and3A_57, %get3A_13, %broadcast_in_dim3A_535 : vector<64x512xi1>, vector<64x512xf32>
    %swap3A_564 = arith.constant 4 : index
    %swap3A_565 = arith.constant 0 : index
    %swap3A_566 = arith.constant 0 : index
    %swap3A_567 = vector.load %arg4[%swap3A_564, %swap3A_565, %swap3A_566] : memref<16x64x512xf32, #tpu.memory_space<vmem>>, vector<1x64x512xf32>
    %swap3A_568 = vector.shape_cast %swap3A_567 : vector<1x64x512xf32> to vector<64x512xf32>
    %swap3A_569 = vector.shape_cast %select_n3A_563 : vector<64x512xf32> to vector<1x64x512xf32>
    tpu.vector_store %arg4[%swap3A_564, %swap3A_565, %swap3A_566], %swap3A_569 {strides = array<i32>} : memref<16x64x512xf32, #tpu.memory_space<vmem>>, vector<1x64x512xf32>,
    %select_n3A_570 = arith.select %and3A_57, %add3A_512, %broadcast_in_dim3A_535 : vector<64x512xi1>, vector<64x512xf32>
    %swap3A_571 = arith.constant 5 : index
    %swap3A_572 = arith.constant 0 : index
    %swap3A_573 = arith.constant 0 : index
    %swap3A_574 = vector.load %arg4[%swap3A_571, %swap3A_572, %swap3A_573] : memref<16x64x512xf32, #tpu.memory_space<vmem>>, vector<1x64x512xf32>
    %swap3A_575 = vector.shape_cast %swap3A_574 : vector<1x64x512xf32> to vector<64x512xf32>
    %swap3A_576 = vector.shape_cast %select_n3A_570 : vector<64x512xf32> to vector<1x64x512xf32>
    tpu.vector_store %arg4[%swap3A_571, %swap3A_572, %swap3A_573], %swap3A_576 {strides = array<i32>} : memref<16x64x512xf32, #tpu.memory_space<vmem>>, vector<1x64x512xf32>,
    %select_n3A_577 = arith.select %and3A_57, %add3A_519, %broadcast_in_dim3A_535 : vector<64x512xi1>, vector<64x512xf32>
    %swap3A_578 = arith.constant 6 : index
    %swap3A_579 = arith.constant 0 : index
    %swap3A_580 = arith.constant 0 : index
    %swap3A_581 = vector.load %arg4[%swap3A_578, %swap3A_579, %swap3A_580] : memref<16x64x512xf32, #tpu.memory_space<vmem>>, vector<1x64x512xf32>
    %swap3A_582 = vector.shape_cast %swap3A_581 : vector<1x64x512xf32> to vector<64x512xf32>
    %swap3A_583 = vector.shape_cast %select_n3A_577 : vector<64x512xf32> to vector<1x64x512xf32>
    tpu.vector_store %arg4[%swap3A_578, %swap3A_579, %swap3A_580], %swap3A_583 {strides = array<i32>} : memref<16x64x512xf32, #tpu.memory_space<vmem>>, vector<1x64x512xf32>,
    %select_n3A_584 = arith.select %and3A_57, %add3A_526, %broadcast_in_dim3A_535 : vector<64x512xi1>, vector<64x512xf32>
    %swap3A_585 = arith.constant 7 : index
    %swap3A_586 = arith.constant 0 : index
    %swap3A_587 = arith.constant 0 : index
    %swap3A_588 = vector.load %arg4[%swap3A_585, %swap3A_586, %swap3A_587] : memref<16x64x512xf32, #tpu.memory_space<vmem>>, vector<1x64x512xf32>
    %swap3A_589 = vector.shape_cast %swap3A_588 : vector<1x64x512xf32> to vector<64x512xf32>
    %swap3A_590 = vector.shape_cast %select_n3A_584 : vector<64x512xf32> to vector<1x64x512xf32>
    tpu.vector_store %arg4[%swap3A_585, %swap3A_586, %swap3A_587], %swap3A_590 {strides = array<i32>} : memref<16x64x512xf32, #tpu.memory_space<vmem>>, vector<1x64x512xf32>,
    %select_n3A_591 = arith.select %and3A_57, %add3A_533, %broadcast_in_dim3A_535 : vector<64x512xi1>, vector<64x512xf32>
    %swap3A_592 = arith.constant 8 : index
    %swap3A_593 = arith.constant 0 : index
    %swap3A_594 = arith.constant 0 : index
    %swap3A_595 = vector.load %arg4[%swap3A_592, %swap3A_593, %swap3A_594] : memref<16x64x512xf32, #tpu.memory_space<vmem>>, vector<1x64x512xf32>
    %swap3A_596 = vector.shape_cast %swap3A_595 : vector<1x64x512xf32> to vector<64x512xf32>
    %swap3A_597 = vector.shape_cast %select_n3A_591 : vector<64x512xf32> to vector<1x64x512xf32>
    tpu.vector_store %arg4[%swap3A_592, %swap3A_593, %swap3A_594], %swap3A_597 {strides = array<i32>} : memref<16x64x512xf32, #tpu.memory_space<vmem>>, vector<1x64x512xf32>,
    %swap3A_598 = arith.constant 9 : index
    %swap3A_599 = arith.constant 0 : index
    %swap3A_600 = arith.constant 0 : index
    %swap3A_601 = vector.load %arg4[%swap3A_598, %swap3A_599, %swap3A_600] : memref<16x64x512xf32, #tpu.memory_space<vmem>>, vector<1x64x512xf32>
    %swap3A_602 = vector.shape_cast %swap3A_601 : vector<1x64x512xf32> to vector<64x512xf32>
    %swap3A_603 = vector.shape_cast %broadcast_in_dim3A_535 : vector<64x512xf32> to vector<1x64x512xf32>
    tpu.vector_store %arg4[%swap3A_598, %swap3A_599, %swap3A_600], %swap3A_603 {strides = array<i32>} : memref<16x64x512xf32, #tpu.memory_space<vmem>>, vector<1x64x512xf32>,
    %swap3A_604 = arith.constant 10 : index
    %swap3A_605 = arith.constant 0 : index
    %swap3A_606 = arith.constant 0 : index
    %swap3A_607 = vector.load %arg4[%swap3A_604, %swap3A_605, %swap3A_606] : memref<16x64x512xf32, #tpu.memory_space<vmem>>, vector<1x64x512xf32>
    %swap3A_608 = vector.shape_cast %swap3A_607 : vector<1x64x512xf32> to vector<64x512xf32>
    %swap3A_609 = vector.shape_cast %broadcast_in_dim3A_535 : vector<64x512xf32> to vector<1x64x512xf32>
    tpu.vector_store %arg4[%swap3A_604, %swap3A_605, %swap3A_606], %swap3A_609 {strides = array<i32>} : memref<16x64x512xf32, #tpu.memory_space<vmem>>, vector<1x64x512xf32>,
    %swap3A_610 = arith.constant 11 : index
    %swap3A_611 = arith.constant 0 : index
    %swap3A_612 = arith.constant 0 : index
    %swap3A_613 = vector.load %arg4[%swap3A_610, %swap3A_611, %swap3A_612] : memref<16x64x512xf32, #tpu.memory_space<vmem>>, vector<1x64x512xf32>
    %swap3A_614 = vector.shape_cast %swap3A_613 : vector<1x64x512xf32> to vector<64x512xf32>
    %swap3A_615 = vector.shape_cast %broadcast_in_dim3A_535 : vector<64x512xf32> to vector<1x64x512xf32>
    tpu.vector_store %arg4[%swap3A_610, %swap3A_611, %swap3A_612], %swap3A_615 {strides = array<i32>} : memref<16x64x512xf32, #tpu.memory_space<vmem>>, vector<1x64x512xf32>,
    %swap3A_616 = arith.constant 12 : index
    %swap3A_617 = arith.constant 0 : index
    %swap3A_618 = arith.constant 0 : index
    %swap3A_619 = vector.load %arg4[%swap3A_616, %swap3A_617, %swap3A_618] : memref<16x64x512xf32, #tpu.memory_space<vmem>>, vector<1x64x512xf32>
    %swap3A_620 = vector.shape_cast %swap3A_619 : vector<1x64x512xf32> to vector<64x512xf32>
    %swap3A_621 = vector.shape_cast %broadcast_in_dim3A_535 : vector<64x512xf32> to vector<1x64x512xf32>
    tpu.vector_store %arg4[%swap3A_616, %swap3A_617, %swap3A_618], %swap3A_621 {strides = array<i32>} : memref<16x64x512xf32, #tpu.memory_space<vmem>>, vector<1x64x512xf32>,
    %swap3A_622 = arith.constant 13 : index
    %swap3A_623 = arith.constant 0 : index
    %swap3A_624 = arith.constant 0 : index
    %swap3A_625 = vector.load %arg4[%swap3A_622, %swap3A_623, %swap3A_624] : memref<16x64x512xf32, #tpu.memory_space<vmem>>, vector<1x64x512xf32>
    %swap3A_626 = vector.shape_cast %swap3A_625 : vector<1x64x512xf32> to vector<64x512xf32>
    %swap3A_627 = vector.shape_cast %broadcast_in_dim3A_535 : vector<64x512xf32> to vector<1x64x512xf32>
    tpu.vector_store %arg4[%swap3A_622, %swap3A_623, %swap3A_624], %swap3A_627 {strides = array<i32>} : memref<16x64x512xf32, #tpu.memory_space<vmem>>, vector<1x64x512xf32>,
    %swap3A_628 = arith.constant 14 : index
    %swap3A_629 = arith.constant 0 : index
    %swap3A_630 = arith.constant 0 : index
    %swap3A_631 = vector.load %arg4[%swap3A_628, %swap3A_629, %swap3A_630] : memref<16x64x512xf32, #tpu.memory_space<vmem>>, vector<1x64x512xf32>
    %swap3A_632 = vector.shape_cast %swap3A_631 : vector<1x64x512xf32> to vector<64x512xf32>
    %swap3A_633 = vector.shape_cast %broadcast_in_dim3A_535 : vector<64x512xf32> to vector<1x64x512xf32>
    tpu.vector_store %arg4[%swap3A_628, %swap3A_629, %swap3A_630], %swap3A_633 {strides = array<i32>} : memref<16x64x512xf32, #tpu.memory_space<vmem>>, vector<1x64x512xf32>,
    %swap3A_634 = arith.constant 15 : index
    %swap3A_635 = arith.constant 0 : index
    %swap3A_636 = arith.constant 0 : index
    %swap3A_637 = vector.load %arg4[%swap3A_634, %swap3A_635, %swap3A_636] : memref<16x64x512xf32, #tpu.memory_space<vmem>>, vector<1x64x512xf32>
    %swap3A_638 = vector.shape_cast %swap3A_637 : vector<1x64x512xf32> to vector<64x512xf32>
    %swap3A_639 = vector.shape_cast %broadcast_in_dim3A_535 : vector<64x512xf32> to vector<1x64x512xf32>
    tpu.vector_store %arg4[%swap3A_634, %swap3A_635, %swap3A_636], %swap3A_639 {strides = array<i32>} : memref<16x64x512xf32, #tpu.memory_space<vmem>>, vector<1x64x512xf32>,
    %mul3A_640 = arith.constant 1.000000e+02 : f32
    %mul3A_641 = vector.broadcast %mul3A_640 : f32 to vector<64x512xf32>
    %mul3A_642 = arith.mulf %get3A_13, %mul3A_641 : vector<64x512xf32>
    %convert_element_type3A_643 = arith.fptosi %mul3A_642 : vector<64x512xf32> to vector<64x512xi32>
    %mul3A_644 = arith.constant 6.250000e-02 : f32
    %mul3A_645 = vector.broadcast %mul3A_644 : f32 to vector<64x512xf32>
    %mul3A_646 = arith.mulf %add3A_34, %mul3A_645 : vector<64x512xf32>
    %floor3A = math.floor %mul3A_646 : vector<64x512xf32>
    %mul3A_647 = arith.constant 6.250000e-02 : f32
    %mul3A_648 = vector.broadcast %mul3A_647 : f32 to vector<64x512xf32>
    %mul3A_649 = arith.mulf %add3A_39, %mul3A_648 : vector<64x512xf32>
    %floor3A_650 = math.floor %mul3A_649 : vector<64x512xf32>
    %mul3A_651 = vector.broadcast %get3A_27 : f32 to vector<64x512xf32>
    %mul3A_652 = arith.mulf %floor3A_650, %mul3A_651 : vector<64x512xf32>
    %add3A_653 = arith.addf %floor3A, %mul3A_652 : vector<64x512xf32>
    %convert_element_type3A_654 = arith.fptosi %add3A_653 : vector<64x512xf32> to vector<64x512xi32>
    %shift_left3A_655 = arith.constant 17 : i32
    %shift_left3A_656 = vector.broadcast %shift_left3A_655 : i32 to vector<64x512xi32>
    %shift_left3A_657 = arith.shli %convert_element_type3A_654, %shift_left3A_656 : vector<64x512xi32>
    %add3A_658 = arith.addi %shift_left3A_657, %convert_element_type3A_643 : vector<64x512xi32>
    %broadcast_in_dim3A_659 = vector.broadcast %shift_left3A_30 : i32 to vector<64x512xi32>
    %select_n3A_660 = arith.select %and3A_57, %add3A_658, %broadcast_in_dim3A_659 : vector<64x512xi1>, vector<64x512xi32>
    %swap3A_661 = arith.constant 0 : index
    %swap3A_662 = arith.constant 0 : index
    %swap3A_663 = vector.load %arg5[%swap3A_661, %swap3A_662] : memref<64x512xi32, #tpu.memory_space<vmem>>, vector<64x512xi32>
    tpu.vector_store %arg5[%swap3A_661, %swap3A_662], %select_n3A_660 {strides = array<i32>} : memref<64x512xi32, #tpu.memory_space<vmem>>, vector<64x512xi32>,
    return
  }
  func.func @transform_0(%arg0: i32) -> i32 {
    %c0_i32 = arith.constant 0 : i32
    %c0_i32_0 = arith.constant 0 : i32
    return %c0_i32 : i32
  }
  func.func @transform_1(%arg0: i32) -> (i32, i32, i32) {
    %c0_i32 = arith.constant 0 : i32
    %c0_i32_0 = arith.constant 0 : i32
    %c0_i32_1 = arith.constant 0 : i32
    return %c0_i32, %arg0, %c0_i32_0 : i32, i32, i32
  }
  func.func @transform_2(%arg0: i32) -> (i32, i32, i32) {
    %c0_i32 = arith.constant 0 : i32
    %c0_i32_0 = arith.constant 0 : i32
    %c0_i32_1 = arith.constant 0 : i32
    return %c0_i32, %arg0, %c0_i32_0 : i32, i32, i32
  }
  func.func @transform_3(%arg0: i32) -> (i32, i32, i32) {
    %c0_i32 = arith.constant 0 : i32
    %c0_i32_0 = arith.constant 0 : i32
    %c0_i32_1 = arith.constant 0 : i32
    return %c0_i32, %arg0, %c0_i32_0 : i32, i32, i32
  }
  func.func @transform_4(%arg0: i32) -> (i32, i32) {
    %c0_i32 = arith.constant 0 : i32
    %c0_i32_0 = arith.constant 0 : i32
    return %arg0, %c0_i32 : i32, i32
  }
}

</mosaic_0001>

<sc_bundles>
// kernel: gather_offload_async_start
scs
__scs_entry_jumppad:
0x0: {  	(pc) =	sbr.rel $0x88, $3  }
0x1: {  	(tag) =	ssettag $0x0;
	lr =	simm.s32 $0x1  }
0x2: {  	[smem:$0x3F9B] =	sst lr;
	_ =	strace $0xD0000000  }
0x3: {  	_ = 	snop  }
0x4: {  	_ = 	snop  }
0x5: {  	_ = 	snop  }
0x6: {  	_ = 	snop  }
0x7: {  	_ = 	snop  }
__scs_overlays_trampoline_lowered:
0x8: {  	[smem:$0x3FAA] =	sst s0  }
0x9: {  	[smem:$0x3FAB] =	sst s1  }
0xa: {  	[smem:$0x3FAC] =	sst s2  }
0xb: {  	[smem:$0x3FAD] =	sst s3  }
0xc: {  	[smem:$0x3FAE] =	sst s4  }
0xd: {  	[smem:$0x3FAF] =	sst s5  }
0xe: {  	[smem:$0x3FB0] =	sst s6  }
0xf: {  	[smem:$0x3FB1] =	sst s7  }
0x10: {  	[smem:$0x3FB2] =	sst s8  }
0x11: {  	[smem:$0x3FB3] =	sst s9;
	s0 =	simm.s32 @!p0 $0x0  }
0x12: {  	s1 =	sld [smem:$0x3F99];
	s0 =	simm.s32 @p0 $0x1  }
0x13: {  	[smem:$0x3FB4] =	sst s0;
	s0 =	simm.s32 @!p1 $0x0  }
0x14: {  	s2 =	sld [smem:$0x3F98];
	s0 =	simm.s32 @p1 $0x1  }
0x15: {  	[smem:$0x3FB5] =	sst s0;
	s0 =	simm.s32 @!p2 $0x0  }
0x16: {  	s3 =	sld [smem:$0x3FDB];
	s0 =	simm.s32 @p2 $0x1  }
0x17: {  	s4 =	simm.s32 $0x1BF5;
	[smem:$0x3FB7] =	sst s0  }
0x18: {  	s0 =	sld [smem:$0x3F9A];
	_ =	swait.ge [sflag:s4], $0x0  }
0x19: {  	s7 =	sld [smem:$0x3F9B]  }
0x1a: {  	s8 =	sadd.s32 $0xFFFFE003, lr  }
0x1b: {  	s9 =	sadd.s32 $0xFFFFFEF7, lr;
	s5 =	simm.s32 $0xFFFFFFFF;
	p2 =	slt.u32 s8, $0xFFFFF086  }
0x1c: {  	p1 =	slt.u32 s9, $0xF7A;
	s5 =	simm.s32 @!p2 $0x0  }
0x1d: {  	s5 =	simm.s32 @p1 $0x1;
	p0 =	seq.s32 s7, s2  }
0x1e: {  	s7 =	smul.u32 @!p0 $0xF7A, s2;
	p2 =	seq.s32 @!p0 s5, $0x0  }
0x1f: {  	s9 =	smul.u32 $0xF7A, s1;
	s8 =	simm.s32 @!p0 $0x1BF5;
	p2 =	por !p2, p0  }
0x20: {  	[sflag:s8] =	ssyncset.s32 @!p0 $0xFFFFF086;
	s6 =	sadd.s32 @!p0 s3, s7;
	s7 =	simm.s32 @!p0 $0x108  }
0x21: {  	s3 =	sadd.s32 s3, s9;
	s6 =	sadd.s32 @!p0 $0x88, s6;
	s7 =	simm.s32 @p2 $0x1082  }
0x22: {  	[simem:s7], [sflag:s8] =	dma.local @!p0 [hbm:s6], $0xF7A  }
0x23: {  	s9 =	sor.u32 $0xD0000000, s2;
	s6 =	simm.s32 $0x108;
	_ =	swait.ge @!p0 [sflag:s8], $0x0  }
0x24: {  	s3 =	sadd.s32 $0x88, s3;
	s6 =	simm.s32 @!p1 $0x1082;
	[sflag:s4] =	ssyncset.s32 $0xFFFFF086  }
0x25: {  	[simem:s6], [sflag:s4] =	dma.local [hbm:s3], $0xF7A  }
0x26: {  	[smem:$0x3F9B] =	sst s1;
	(tag) =	ssettag s2;
	_ =	strace s9  }
0x27: {  	s1 =	sld [smem:$0x3FAB]  }
0x28: {  	s2 =	sld [smem:$0x3FAC]  }
0x29: {  	s4 =	sld [smem:$0x3FAE]  }
0x2a: {  	p0 =	seq.s32 s5, $0x0;
	s5 =	sld [smem:$0x3FAF]  }
0x2b: {  	s6 =	sld [smem:$0x3FB0]  }
0x2c: {  	s7 =	sld [smem:$0x3FB1]  }
0x2d: {  	s3 =	simm.s32 $0x108;
	s8 =	sld [smem:$0x3FB2]  }
0x2e: {  	s3 =	simm.s32 @!p0 $0x1082;
	s9 =	sld [smem:$0x3FB3]  }
0x2f: {  	lr =	sadd.s32 s0, s3;
	s0 =	sld [smem:$0x3FAA]  }
0x30: {  	s3 =	sld [smem:$0x3FAD]  }
0x31: {  	[smem:$0x3FB6] =	sst s10  }
0x32: {  	s10 =	sld [smem:$0x3FB4];
	_ =	sdelay $0x3  }
0x33: {  	p0 =	seq.s32 s10, $0x1;
	s10 =	sld [smem:$0x3FB6];
	_ =	sdelay $0x3  }
0x34: {  	[smem:$0x3FB6] =	sst s10  }
0x35: {  	s10 =	sld [smem:$0x3FB5];
	_ =	sdelay $0x3  }
0x36: {  	p1 =	seq.s32 s10, $0x1;
	s10 =	sld [smem:$0x3FB6];
	_ =	sdelay $0x3  }
0x37: {  	[smem:$0x3FB6] =	sst s10  }
0x38: {  	s10 =	sld [smem:$0x3FB7]  }
0x39: {  	_ = 	snop;
	(pc) =	sbr.ind lr, $3  }
0x3a: {  	_ = 	snop  }
0x3b: {  	_ = 	snop  }
0x3c: {  	p2 =	seq.s32 s10, $0x1;
	s10 =	sld [smem:$0x3FB6]  }
0x3d: {  	_ =	shalt  }
0x3e: {  	_ =	shalt  }
0x3f: {  	_ =	shalt  }
0x40: {  	_ =	shalt  }
0x41: {  	_ =	shalt  }
0x42: {  	_ =	shalt  }
0x43: {  	_ =	shalt  }
0x44: {  	_ =	shalt  }
0x45: {  	_ =	shalt  }
0x46: {  	_ =	shalt  }
0x47: {  	_ =	shalt  }
0x48: {  	_ =	shalt  }
0x49: {  	_ =	shalt  }
0x4a: {  	_ =	shalt  }
0x4b: {  	_ =	shalt  }
0x4c: {  	_ =	shalt  }
0x4d: {  	_ =	shalt  }
0x4e: {  	_ =	shalt  }
0x4f: {  	_ =	shalt  }
0x50: {  	_ =	shalt  }
0x51: {  	_ =	shalt  }
0x52: {  	_ =	shalt  }
0x53: {  	_ =	shalt  }
0x54: {  	_ =	shalt  }
0x55: {  	_ =	shalt  }
0x56: {  	_ =	shalt  }
0x57: {  	_ =	shalt  }
0x58: {  	_ =	shalt  }
0x59: {  	_ =	shalt  }
0x5a: {  	_ =	shalt  }
0x5b: {  	_ =	shalt  }
0x5c: {  	_ =	shalt  }
0x5d: {  	_ =	shalt  }
0x5e: {  	_ =	shalt  }
0x5f: {  	_ =	shalt  }
0x60: {  	_ =	shalt  }
0x61: {  	_ =	shalt  }
0x62: {  	_ =	shalt  }
0x63: {  	_ =	shalt  }
0x64: {  	_ =	shalt  }
0x65: {  	_ =	shalt  }
0x66: {  	_ =	shalt  }
0x67: {  	_ =	shalt  }
0x68: {  	_ =	shalt  }
0x69: {  	_ =	shalt  }
0x6a: {  	_ =	shalt  }
0x6b: {  	_ =	shalt  }
0x6c: {  	_ =	shalt  }
0x6d: {  	_ =	shalt  }
0x6e: {  	_ =	shalt  }
0x6f: {  	_ =	shalt  }
0x70: {  	_ =	shalt  }
0x71: {  	_ =	shalt  }
0x72: {  	_ =	shalt  }
0x73: {  	_ =	shalt  }
0x74: {  	_ =	shalt  }
0x75: {  	_ =	shalt  }
0x76: {  	_ =	shalt  }
0x77: {  	_ =	shalt  }
0x78: {  	_ =	shalt  }
0x79: {  	_ =	shalt  }
0x7a: {  	_ =	shalt  }
0x7b: {  	_ =	shalt  }
0x7c: {  	_ =	shalt  }
0x7d: {  	_ =	shalt  }
0x7e: {  	_ =	shalt  }
0x7f: {  	_ =	shalt  }
0x80: {  	_ =	shalt  }
0x81: {  	_ =	shalt  }
0x82: {  	_ =	shalt  }
0x83: {  	_ =	shalt  }
0x84: {  	_ =	shalt  }
0x85: {  	_ =	shalt  }
0x86: {  	_ =	shalt  }
0x87: {  	_ =	shalt  }
.Lfunc_end0:
.L_simem_size_0:
called_computation.1_lowered:
.L_overlay_start_0:
0x88: {  	s2 =	sld [smem:$0x3FD9]  }
0x89: {  	s3 =	sld [smem:$0x3FFE];
	_ =	sdelay $0x1  }
0x8a: {  	s1 =	srdreg.scid  }
0x8b: {  	s0 =	sand.u32 $0x1, s1  }
0x8c: {  	s17 =	sshll.u32 s0, $0xA;
	s2 =	sadd.s32 s3, s2  }
0x8d: {  	s2 =	sadd.s32 s2, s17  }
0x8e: {  	[smem:$0x3FC2] =	sst s2  }
0x8f: {  	_ = 	snop  }
0x90: {  	s2 =	sld [smem:$0x3FD0];
	(tm) =	ssettm $0x1  }
0x91: {  	s18 =	sld [smem:$0x3FFB];
	_ =	sdelay $0x3  }
0x92: {  	_ =	strace s18  }
0x93: {  	s3 =	sld [smem:$0x3FFC];
	_ =	sdelay $0x3  }
0x94: {  	_ =	strace s3  }
0x95: {  	s3 =	sld [smem:$0x3FFD];
	_ =	sdelay $0x3  }
0x96: {  	_ =	strace s3  }
0x97: {  	_ =	strace $0x8FFFFFFF  }
0x98: {  	s19 =	sld [smem:$0x3FDB];
	_ =	sdelay $0x1  }
0x99: {  	s4 =	simm.s32 $_scs_section_size  }
0x9a: {  	s5 =	simm.s32 $_size__tile_overlayer_lowered;
	s6 =	simm.s32 $_tile_overlayer_lowered  }
0x9b: {  	s22 =	simm.s32 $0x1BFF;
	s21 =	sshll.u32 s6, $0x1;
	s3 =	sadd.s32 s4, s19  }
0x9c: {  	s7 =	simm.s32 $0x0;
	s20 =	sshll.u32 s5, $0x1;
	s5 =	sadd.s32 s21, s3  }
0x9d: {  	[timem:s7], [sflag:s22] =	dma.local [hbm:s5], s20  }
0x9e: {  	_ =	swait.ge [sflag:s22], s20  }
0x9f: {  	s4 =	ssub.s32 $0x0, s20;
	[sflag:s22] =	ssyncset.done $0x0  }
0xa0: {  	[sflag:s22] =	ssyncadd.s32 s4;
	_ =	sdelay $0x1  }
0xa1: {  	s23 =	simm.s32 $0x1B8B  }
0xa2: {  	_ =	swait.ge [sflag:s23], $0x1  }
0xa3: {  	[sflag:s23] =	ssyncset.done $0x0  }
0xa4: {  	s25 =	simm.s32 $0x1B8E;
	s24 =	sld [smem:$0x3FFE];
	[sflag:s23] =	ssyncadd.s32 $0xFFFFFFFF  }
0xa5: {  	s26 =	simm.s32 $execute0_lowered;
	[smem:$0x3FD2] =	sst s25  }
0xa6: {  	s5 =	sshll.u32 s26, $0x1;
	_ =	strace $0x80000049;
	[dreg:$0x1] =	wrdreg $0xFFFFFFFF  }
0xa7: {  	s28 =	simm.s32 $_size_execute0_lowered;
	s3 =	sadd.s32 s3, s5;
	[dreg:$0x0] =	wrdreg $0x0  }
0xa8: {  	s5 =	sshll.u32 s28, $0x1;
	[dreg:$0x2] =	wrdreg s3  }
0xa9: {  	[dreg:$0x3] =	wrdreg s5  }
0xaa: {  	[dreg:$0x4] =	wrdreg $0xC0  }
0xab: {  	_ =	task [dreg:s7], $0x5FFFF  }
0xac: {  	[dreg:$0x1] =	wrdreg $0xFFFFFFFF  }
0xad: {  	[dreg:$0x0] =	wrdreg $0x60  }
0xae: {  	[dreg:$0x2] =	wrdreg s24  }
0xaf: {  	[dreg:$0x3] =	wrdreg s2  }
0xb0: {  	[dreg:$0x4] =	wrdreg $0x9  }
0xb1: {  	_ =	task.clear_ibuf [dreg:s7], $0x5FFFF;
	_ =	strace $0x90000049  }
0xb2: {  	s29 =	simm.s32 $0x9;
	_ =	strace $0x8000004B  }
0xb3: {  	_ =	swait.ge [sflag:s29], $0x1  }
0xb4: {  	[sflag:s29] =	ssyncadd.s32 $0xFFFFFFFF  }
0xb5: {  	_ =	strace $0x9000004B  }
0xb6: {  	_ =	sfence  }
0xb7: {  	s30 =	sld [smem:$0x0];
	_ =	sdelay $0x2  }
0xb8: {  	s31 =	sshll.u32 s1, $0xD;
	s1 =	sshrl.u32 s1, $0x2  }
0xb9: {  	s3 =	sand.u32 $0x4000, s31;
	s1 =	sadd.s32 s1, s30  }
0xba: {  	s0 =	sor.u32 s3, s0;
	s1 =	sshll.u32 s1, $0x11  }
0xbb: {  	s0 =	sor.u32 s1, s0  }
0xbc: {  	s0 =	sadd.s32 $0x8F2B, s0  }
0xbd: {  	[sflag:s0] =	ssyncadd.remote.s32 $0x1  }
0xbe: {  	_ =	sfence.sel $0xFFFF  }
0xbf: {  	[dreg:$0x0] =	wrdreg $0xFFFFFFFF;
	(pc) =	sbr.abs _section_cstart, $3  }
0xc0: {  	[dreg:$0x1] =	wrdreg $0xFFFFFFFF  }
0xc1: {  	_ =	task.clear_ibuf [dreg:s7], $0x2FFFF;
	_ =	strace $0x9FFFFFFF  }
0xc2: {  	(tm) =	ssettm $0x7FFFFFFF  }
0xc3: {  	_ =	shalt  }
tec
execute0_lowered:
.L_overlay_start_1:
0x0: {  	(tag) =	ssettag $0x1  }
0x1: {  	s9 =	rddreg [dreg:$0x0]  }
0x2: {  	s0 =	srdreg.scid;
	s2 =	rddreg [dreg:$0x1]  }
0x3: {  	s1 =	stileid.u32;
	s5 =	simm.s32 $0x1;
	s6 =	simm.s32 $0x2  }
0x4: {  	s10 =	simm.s32 $0x3;
	s14 =	simm.s32 $0x0;
	s3 =	sshll.u32 s0, $0xB  }
0x5: {  	s13 =	simm.s32 $0x0;
	s4 =	sshll.u32 s1, $0xC;
	s3 =	sand.u32 $0x800, s3  }
0x6: {  	s0 =	rddreg [dreg:$0x2];
	_ =	strace $0x8000004A;
	s3 =	sor.u32 s4, s3  }
0x7: {  	[sflag:s5] =	ssyncpa.u1 $0x0;
	s4 =	sadd.s32 $0x2CA600, s9;
	s7 =	ssub.s32 $0xF8000, s3  }
.Ltmp0:
0x8: {  	[sflag:s6] =	ssyncpa.u1 $0x0;
	s8 =	sand.u32 $0xF800, s7;
	(pc) =	sbr.rel .LBB2_1-.Ltmp0, $4  }
0x9: {  	[sflag:s10] =	ssyncpa.u1 $0x0;
	p0 =	sne.s32 s8, $0x0;
	s8 =	simm.s32 $0x1  }
0xa: {  	s12 =	smov.u32 s3;
	s11 =	sshrl.u32 s7, $0x10;
	s8 =	simm.s32 @!p0 $0x0  }
0xb: {  	s7 =	sadd.s32 $0x600, s9;
	s9 =	sadd.s32 $0xF8600, s9;
	s8 =	sadd.s32 s8, s11  }
0xc: {  	vm0 =	vmmov $0xffff;
	v0 =	vlaneseq.u32;
	p0 =	por $0x0, $0x0;
	s11 =	simm.s32 $0x0;
	s10 =	sadd.s32 $0x1, s8  }
.LBB2_4:
0xd: {  	_ =	sdelay $0x1  }
0xe: {  	(ifvalue) =	ssetifvalue $0x7FFFFFFF  }
0xf: {  	s17 =	sshll.u32 s14, $0x3;
	(ifvalue) =	ssetifvalue $0x7FFFFFFF  }
0x10: {  	[tilespmem:s23], [sflag:$0x1] =	stream.indirect_vreg.gather [hbm4b:s4+s11], $0x1, v1, vm0, $0x4038;
	[tilespmem:$0x11000] =	vst v63  }
0x11: {  	s30 =	sand.u32 $0x78, s14;
	s17 =	sand.u32 $0xFFFFFC00, s17  }
0x12: {  	_ =	swait.ge [sflag:s5], $0x8000;
	s14 =	sor.u32 s30, s17  }
0x13: {  	[sflag:s5] =	ssyncset.done $0x0;
	s14 =	sshrl.u32 s14, $0x3  }
0x14: {  	[sflag:s5] =	ssyncadd.s32 $0xFFFF8000;
	s31 =	sadd.s32 s7, s14  }
0x15: {  	[hbm:s31] =	stream.linear.scatter [tilespmem:s16], [sflag:$0x3], $0x4000, $0x38;
	[tilespmem:$0x11000] =	vst v63  }
0x16: {  	s15 =	sadd.s32 $0x5000, s15;
	s14 =	sadd.s32 s14, s9  }
0x17: {  	[hbm:s14] =	stream.linear.scatter [tilespmem:s15], [sflag:$0x3], $0x4000, $0x38;
	[tilespmem:$0x11000] =	vst v63  }
.LBB2_5:
0x18: {  	s16 =	sadd.s32 $0x10000, s12  }
0x19: {  	p2 =	sgt.s32 s16, $0xF7FFF  }
0x1a: {  	s16 =	smov.u32 @p2 s3;
	p2 =	sne.s32 s13, s10  }
.Ltmp1:
0x1b: {  	p1 =	slt.u32 s13, $0x2;
	(pc) =	sbr.rel @!p2 .LBB2_6-.Ltmp1, $4  }
0x1c: {  	s15 =	simm.s32 @!p1 $0x3  }
0x1d: {  	s17 =	sadd.s32 $0x1, s13;
	_ =	swait.ge @!p1 [sflag:s15], $0x8000  }
0x1e: {  	s14 =	smov.u32 s12;
	p0 =	por !p0, !p0;
	[sflag:s15] =	ssyncset.done @!p1 $0x0  }
0x1f: {  	s13 =	smov.u32 s17;
	s12 =	smov.u32 s16;
	[sflag:s15] =	ssyncadd.s32 @!p1 $0xFFFF8000  }
.LBB2_1:
0x20: {  	p1 =	sge.u32 s13, s8  }
0x21: {  	s15 =	sxor.u32 @!p1 $0xFFFFFFFF, s13  }
0x22: {  	s31 =	sadd.s32 $0xFFFFFFFF, s13;
	s16 =	sshrl.u32 @!p1 s12, $0x3;
	s15 =	sshll.u32 @!p1 s15, $0xB  }
0x23: {  	s17 =	sand.u32 @!p1 $0x7, s12;
	s16 =	sadd.s32 @!p1 s2, s16;
	s15 =	sand.u32 @!p1 $0x800, s15  }
0x24: {  	[tilespmem:s15], [sflag:$0x2] =	stream.linear.gather @!p1 [hbm4b:s16+s17], $0x800, $0x38;
	[tilespmem:$0x11000] =	vst v63  }
0x25: {  	p1 =	sge.u32 s31, s8  }
.Ltmp2:
0x26: {  	_ = 	snop;
	(pc) =	sbr.rel @p1 .LBB2_5-.Ltmp2, $1  }
0x27: {  	_ =	sdelay $0x3  }
0x28: {  	s15 =	simm.s32 $0x1;
	_ =	swait.ge [sflag:s6], $0x800  }
0x29: {  	s15 =	simm.s32 @!p0 $0x0;
	[sflag:s6] =	ssyncset.done $0x0  }
0x2a: {  	s19 =	sshll.u32 s15, $0xB;
	[sflag:s6] =	ssyncadd.s32 $0xFFFFF800  }
0x2b: {  	v1 =	vld.msk [tilespmem:s19+$0x0 ss:$0x1], $0xffff;
	_ =	sdelay $0x2  }
0x2c: {  	s20 =	ssub.s32 $0xF8000, s14  }
0x2d: {  	p1 =	slt.s32 s20, $0x800  }
0x2e: {  	s20 =	simm.s32 @!p1 $0x800;
	vm1 =	vgt.s32 v1, $0x0  }
0x2f: {  	p1 =	sgt.s32 s20, $0x0;
	s15 =	smov.u32 s20;
	v1 =	vnsel vm1, $0x0, v1  }
0x30: {  	s15 =	simm.s32 @!p1 $0x0;
	v1 =	vmin.u32 v1, $0xF7FFF  }
0x31: {  	s15 =	smin.u32 s15, $0x10;
	v2 =	vshll.u32 v1, $0x3  }
0x32: {  	v3 =	vmov s15;
	v1 =	vand.u32 $0x7F, v1;
	v2 =	vand.u32 $0x7FFC00, v2  }
0x33: {  	vm1 =	vgt.u32 v3, v0;
	v1 =	vor.u32 v1, v2  }
0x34: {  	s26 =	sshll.u32 s13, $0xF;
	v2 =	vnsel vm1, $0x7FFFFFFF, v1  }
0x35: {  	s18 =	simm.s32 $0x0;
	s15 =	sand.u32 $0x8000, s26  }
0x36: {  	s17 =	simm.s32 $0x0;
	s18 =	sand.u32 $0x3C00, s18;
	s16 =	sor.u32 $0x1000, s15;
	v3 =	vor.u32 $0x80, v1  }
0x37: {  	s21 =	sand.u32 $0x70, s17;
	(ifvalue) =	ssetifvalue $0x7FFFFFFF;
	s18 =	sadd.s32 s18, s16;
	v3 =	vnsel vm1, $0x7FFFFFFF, v3  }
0x38: {  	(ifvalue) =	ssetifvalue $0x7FFFFFFF;
	s21 =	sadd.s32 s21, s18  }
0x39: {  	v4 =	vor.u32 $0x100, v1;
	[tilespmem:s21], [sflag:$0x1] =	stream.indirect_vreg.gather [hbm4b:s4+s11], $0x1, v2, vm0, $0x4038;
	[tilespmem:$0x11000] =	vst v63  }
0x3a: {  	v2 =	vnsel vm1, $0x7FFFFFFF, v4;
	(ifvalue) =	ssetifvalue $0x7FFFFFFF  }
0x3b: {  	s18 =	sadd.s32 $0x80, s21;
	(ifvalue) =	ssetifvalue $0x7FFFFFFF  }
0x3c: {  	v52 =	vor.u32 $0x180, v1;
	[tilespmem:s18], [sflag:$0x1] =	stream.indirect_vreg.gather [hbm4b:s4+s11], $0x1, v3, vm0, $0x4038;
	[tilespmem:$0x11000] =	vst v63  }
0x3d: {  	v3 =	vnsel vm1, $0x7FFFFFFF, v52;
	(ifvalue) =	ssetifvalue $0x7FFFFFFF  }
0x3e: {  	s28 =	sadd.s32 $0x100, s21;
	(ifvalue) =	ssetifvalue $0x7FFFFFFF  }
0x3f: {  	v53 =	vor.u32 $0x200, v1;
	[tilespmem:s28], [sflag:$0x1] =	stream.indirect_vreg.gather [hbm4b:s4+s11], $0x1, v2, vm0, $0x4038;
	[tilespmem:$0x11000] =	vst v63  }
0x40: {  	v2 =	vnsel vm1, $0x7FFFFFFF, v53;
	(ifvalue) =	ssetifvalue $0x7FFFFFFF  }
0x41: {  	s29 =	sadd.s32 $0x180, s21;
	(ifvalue) =	ssetifvalue $0x7FFFFFFF  }
0x42: {  	v54 =	vor.u32 $0x280, v1;
	[tilespmem:s29], [sflag:$0x1] =	stream.indirect_vreg.gather [hbm4b:s4+s11], $0x1, v3, vm0, $0x4038;
	[tilespmem:$0x11000] =	vst v63  }
0x43: {  	v3 =	vnsel vm1, $0x7FFFFFFF, v54;
	(ifvalue) =	ssetifvalue $0x7FFFFFFF  }
0x44: {  	s30 =	sadd.s32 $0x200, s21;
	(ifvalue) =	ssetifvalue $0x7FFFFFFF  }
0x45: {  	v55 =	vor.u32 $0x300, v1;
	[tilespmem:s30], [sflag:$0x1] =	stream.indirect_vreg.gather [hbm4b:s4+s11], $0x1, v2, vm0, $0x4038;
	[tilespmem:$0x11000] =	vst v63  }
0x46: {  	v2 =	vnsel vm1, $0x7FFFFFFF, v55;
	(ifvalue) =	ssetifvalue $0x7FFFFFFF  }
0x47: {  	s31 =	sand.u32 $0x7, s17;
	s22 =	sadd.s32 $0x280, s21;
	(ifvalue) =	ssetifvalue $0x7FFFFFFF  }
0x48: {  	v56 =	vor.u32 $0x380, v1;
	[tilespmem:s22], [sflag:$0x1] =	stream.indirect_vreg.gather [hbm4b:s4+s11], $0x1, v3, vm0, $0x4038;
	[tilespmem:$0x11000] =	vst v63  }
0x49: {  	s18 =	sshll.u32 s31, $0x4;
	v3 =	vnsel vm1, $0x7FFFFFFF, v56;
	(ifvalue) =	ssetifvalue $0x7FFFFFFF  }
0x4a: {  	s23 =	sadd.s32 $0x300, s21;
	s18 =	sadd.s32 $0x0, s18;
	(ifvalue) =	ssetifvalue $0x7FFFFFFF  }
0x4b: {  	v57 =	vadd.s32 $0x7C0000, v1;
	[tilespmem:s23], [sflag:$0x1] =	stream.indirect_vreg.gather [hbm4b:s4+s11], $0x1, v2, vm0, $0x4038;
	[tilespmem:$0x11000] =	vst v63  }
0x4c: {  	s18 =	sor.u32 $0x380, s18;
	v2 =	vnsel vm1, $0x7FFFFFFF, v57;
	(ifvalue) =	ssetifvalue $0x7FFFFFFF  }
0x4d: {  	s18 =	sadd.s32 s18, s16;
	(ifvalue) =	ssetifvalue $0x7FFFFFFF  }
0x4e: {  	v58 =	vadd.s32 $0x7C0080, v1;
	[tilespmem:s18], [sflag:$0x1] =	stream.indirect_vreg.gather [hbm4b:s4+s11], $0x1, v3, vm0, $0x4038;
	[tilespmem:$0x11000] =	vst v63  }
0x4f: {  	v3 =	vnsel vm1, $0x7FFFFFFF, v58;
	(ifvalue) =	ssetifvalue $0x7FFFFFFF  }
0x50: {  	s24 =	sadd.s32 $0x4000, s21;
	(ifvalue) =	ssetifvalue $0x7FFFFFFF  }
0x51: {  	v59 =	vadd.s32 $0x7C0100, v1;
	[tilespmem:s24], [sflag:$0x1] =	stream.indirect_vreg.gather [hbm4b:s4+s11], $0x1, v2, vm0, $0x4038;
	[tilespmem:$0x11000] =	vst v63  }
0x52: {  	v2 =	vnsel vm1, $0x7FFFFFFF, v59;
	(ifvalue) =	ssetifvalue $0x7FFFFFFF  }
0x53: {  	s25 =	sadd.s32 $0x4080, s21;
	(ifvalue) =	ssetifvalue $0x7FFFFFFF  }
0x54: {  	v60 =	vadd.s32 $0x7C0180, v1;
	[tilespmem:s25], [sflag:$0x1] =	stream.indirect_vreg.gather [hbm4b:s4+s11], $0x1, v3, vm0, $0x4038;
	[tilespmem:$0x11000] =	vst v63  }
0x55: {  	v3 =	vnsel vm1, $0x7FFFFFFF, v60;
	(ifvalue) =	ssetifvalue $0x7FFFFFFF  }
0x56: {  	s26 =	sadd.s32 $0x4100, s21;
	(ifvalue) =	ssetifvalue $0x7FFFFFFF  }
0x57: {  	v61 =	vadd.s32 $0x7C0200, v1;
	[tilespmem:s26], [sflag:$0x1] =	stream.indirect_vreg.gather [hbm4b:s4+s11], $0x1, v2, vm0, $0x4038;
	[tilespmem:$0x11000] =	vst v63  }
0x58: {  	v2 =	vnsel vm1, $0x7FFFFFFF, v61;
	(ifvalue) =	ssetifvalue $0x7FFFFFFF  }
0x59: {  	s28 =	sadd.s32 $0x4180, s21;
	(ifvalue) =	ssetifvalue $0x7FFFFFFF  }
0x5a: {  	v62 =	vadd.s32 $0x7C0280, v1;
	[tilespmem:s28], [sflag:$0x1] =	stream.indirect_vreg.gather [hbm4b:s4+s11], $0x1, v3, vm0, $0x4038;
	[tilespmem:$0x11000] =	vst v63  }
0x5b: {  	v3 =	vnsel vm1, $0x7FFFFFFF, v62;
	(ifvalue) =	ssetifvalue $0x7FFFFFFF  }
0x5c: {  	s29 =	sadd.s32 $0x4200, s21;
	(ifvalue) =	ssetifvalue $0x7FFFFFFF  }
0x5d: {  	v63 =	vadd.s32 $0x7C0300, v1;
	[tilespmem:s29], [sflag:$0x1] =	stream.indirect_vreg.gather [hbm4b:s4+s11], $0x1, v2, vm0, $0x4038;
	[tilespmem:$0x11000] =	vst v63  }
0x5e: {  	s19 =	sadd.s32 $0x10, s19;
	s20 =	sadd.s32 $0xFFFFFFF0, s20;
	v2 =	vnsel vm1, $0x7FFFFFFF, v63;
	(ifvalue) =	ssetifvalue $0x7FFFFFFF  }
0x5f: {  	s31 =	sadd.s32 $0x4300, s21;
	s30 =	sadd.s32 $0x4280, s21;
	(ifvalue) =	ssetifvalue $0x7FFFFFFF  }
0x60: {  	[tilespmem:s30], [sflag:$0x1] =	stream.indirect_vreg.gather [hbm4b:s4+s11], $0x1, v3, vm0, $0x4038;
	[tilespmem:$0x11000] =	vst v63  }
0x61: {  	v1 =	vadd.s32 $0x7C0380, v1;
	s22 =	simm.s32 $0x0;
	s23 =	sadd.s32 $0x4380, s21;
	(ifvalue) =	ssetifvalue $0x7FFFFFFF  }
0x62: {  	v1 =	vnsel vm1, $0x7FFFFFFF, v1;
	s21 =	simm.s32 $0xFFFFC080;
	s18 =	simm.s32 $0x10;
	(ifvalue) =	ssetifvalue $0x7FFFFFFF  }
0x63: {  	[tilespmem:s31], [sflag:$0x1] =	stream.indirect_vreg.gather [hbm4b:s4+s11], $0x1, v2, vm0, $0x4038;
	[tilespmem:$0x11000] =	vst v63  }
.LBB2_3:
0x64: {  	(ifvalue) =	ssetifvalue $0x7FFFFFFF  }
0x65: {  	s17 =	sadd.s32 $0x80, s17;
	s22 =	sadd.s32 $0x1, s22;
	s24 =	smov.u32 s18  }
0x66: {  	p1 =	sne.s32 s18, $0x7F0;
	s18 =	sadd.s32 $0x10, s18;
	(ifvalue) =	ssetifvalue $0x7FFFFFFF  }
0x67: {  	[tilespmem:s23], [sflag:$0x1] =	stream.indirect_vreg.gather [hbm4b:s4+s11], $0x1, v1, vm0, $0x4038;
	[tilespmem:$0x11000] =	vst v63  }
0x68: {  	v1 =	vld.msk [tilespmem:s19+$0x0 ss:$0x1], $0xffff;
	_ =	sdelay $0x4  }
0x69: {  	p2 =	sgt.s32 s20, $0x0;
	s23 =	smov.u32 s20;
	vm1 =	vgt.s32 v1, $0x0  }
0x6a: {  	s23 =	simm.s32 @!p2 $0x0;
	v1 =	vnsel vm1, $0x0, v1  }
0x6b: {  	s23 =	smin.u32 s23, $0x10;
	v1 =	vmin.u32 v1, $0xF7FFF  }
0x6c: {  	v2 =	vmov s23;
	v3 =	vshll.u32 v1, $0x3  }
0x6d: {  	vm1 =	vgt.u32 v2, v0;
	v1 =	vand.u32 $0x7F, v1;
	v2 =	vand.u32 $0x7FFC00, v3  }
0x6e: {  	v1 =	vor.u32 v1, v2  }
0x6f: {  	s23 =	sadd.s32 $0x4000, s21;
	v2 =	vnsel vm1, $0x7FFFFFFF, v1  }
0x70: {  	s23 =	sand.u32 $0x3C00, s23;
	v3 =	vor.u32 $0x80, v1;
	v4 =	vor.u32 $0x100, v1;
	v5 =	vor.u32 $0x180, v1  }
0x71: {  	s24 =	sand.u32 $0x70, s24;
	s23 =	sadd.s32 s23, s16;
	v6 =	vor.u32 $0x200, v1;
	v3 =	vnsel vm1, $0x7FFFFFFF, v3;
	v4 =	vnsel vm1, $0x7FFFFFFF, v4;
	(ifvalue) =	ssetifvalue $0x7FFFFFFF  }
0x72: {  	s23 =	sadd.s32 s24, s23;
	v7 =	vor.u32 $0x280, v1;
	v8 =	vor.u32 $0x300, v1;
	v5 =	vnsel vm1, $0x7FFFFFFF, v5;
	(ifvalue) =	ssetifvalue $0x7FFFFFFF  }
0x73: {  	v9 =	vor.u32 $0x380, v1;
	v6 =	vnsel vm1, $0x7FFFFFFF, v6;
	v7 =	vnsel vm1, $0x7FFFFFFF, v7  }
0x74: {  	v10 =	vadd.s32 $0x7C0000, v1;
	v11 =	vadd.s32 $0x7C0100, v1;
	v8 =	vnsel vm1, $0x7FFFFFFF, v8  }
0x75: {  	[tilespmem:s23], [sflag:$0x1] =	stream.indirect_vreg.gather [hbm4b:s4+s11], $0x1, v2, vm0, $0x4038;
	v2 =	vnsel vm1, $0x7FFFFFFF, v9;
	v9 =	vnsel vm1, $0x7FFFFFFF, v10;
	v10 =	vadd.s32 $0x7C0080, v1;
	[tilespmem:$0x11000] =	vst v63  }
0x76: {  	v12 =	vadd.s32 $0x7C0180, v1;
	(ifvalue) =	ssetifvalue $0x7FFFFFFF;
	v10 =	vnsel vm1, $0x7FFFFFFF, v10  }
0x77: {  	s24 =	sadd.s32 $0x80, s23;
	v13 =	vadd.s32 $0x7C0280, v1;
	v11 =	vnsel vm1, $0x7FFFFFFF, v11;
	(ifvalue) =	ssetifvalue $0x7FFFFFFF  }
0x78: {  	[tilespmem:s24], [sflag:$0x1] =	stream.indirect_vreg.gather [hbm4b:s4+s11], $0x1, v3, vm0, $0x4038;
	v3 =	vnsel vm1, $0x7FFFFFFF, v12;
	v12 =	vadd.s32 $0x7C0200, v1;
	[tilespmem:$0x11000] =	vst v63  }
0x79: {  	v14 =	vadd.s32 $0x7C0300, v1;
	v13 =	vnsel vm1, $0x7FFFFFFF, v13;
	(ifvalue) =	ssetifvalue $0x7FFFFFFF;
	v12 =	vnsel vm1, $0x7FFFFFFF, v12  }
0x7a: {  	v14 =	vnsel vm1, $0x7FFFFFFF, v14;
	s24 =	sadd.s32 $0x100, s23;
	v1 =	vadd.s32 $0x7C0380, v1;
	(ifvalue) =	ssetifvalue $0x7FFFFFFF  }
0x7b: {  	v1 =	vnsel vm1, $0x7FFFFFFF, v1;
	[tilespmem:s24], [sflag:$0x1] =	stream.indirect_vreg.gather [hbm4b:s4+s11], $0x1, v4, vm0, $0x4038;
	[tilespmem:$0x11000] =	vst v63  }
0x7c: {  	(ifvalue) =	ssetifvalue $0x7FFFFFFF  }
0x7d: {  	s24 =	sadd.s32 $0x180, s23;
	(ifvalue) =	ssetifvalue $0x7FFFFFFF  }
0x7e: {  	[tilespmem:s24], [sflag:$0x1] =	stream.indirect_vreg.gather [hbm4b:s4+s11], $0x1, v5, vm0, $0x4038;
	[tilespmem:$0x11000] =	vst v63  }
0x7f: {  	(ifvalue) =	ssetifvalue $0x7FFFFFFF  }
0x80: {  	s24 =	sadd.s32 $0x200, s23;
	(ifvalue) =	ssetifvalue $0x7FFFFFFF  }
0x81: {  	[tilespmem:s24], [sflag:$0x1] =	stream.indirect_vreg.gather [hbm4b:s4+s11], $0x1, v6, vm0, $0x4038;
	[tilespmem:$0x11000] =	vst v63  }
0x82: {  	(ifvalue) =	ssetifvalue $0x7FFFFFFF  }
0x83: {  	s25 =	sadd.s32 $0x280, s23;
	s24 =	sand.u32 $0x7, s22;
	(ifvalue) =	ssetifvalue $0x7FFFFFFF  }
0x84: {  	[tilespmem:s25], [sflag:$0x1] =	stream.indirect_vreg.gather [hbm4b:s4+s11], $0x1, v7, vm0, $0x4038;
	[tilespmem:$0x11000] =	vst v63  }
0x85: {  	s24 =	sshll.u32 s24, $0x4;
	(ifvalue) =	ssetifvalue $0x7FFFFFFF  }
0x86: {  	s24 =	sadd.s32 s24, s17;
	s25 =	sadd.s32 $0x300, s23;
	(ifvalue) =	ssetifvalue $0x7FFFFFFF  }
0x87: {  	[tilespmem:s25], [sflag:$0x1] =	stream.indirect_vreg.gather [hbm4b:s4+s11], $0x1, v8, vm0, $0x4038;
	[tilespmem:$0x11000] =	vst v63  }
0x88: {  	s24 =	sor.u32 $0x380, s24;
	(ifvalue) =	ssetifvalue $0x7FFFFFFF  }
0x89: {  	s24 =	sadd.s32 s24, s16;
	(ifvalue) =	ssetifvalue $0x7FFFFFFF  }
0x8a: {  	[tilespmem:s24], [sflag:$0x1] =	stream.indirect_vreg.gather [hbm4b:s4+s11], $0x1, v2, vm0, $0x4038;
	[tilespmem:$0x11000] =	vst v63  }
0x8b: {  	(ifvalue) =	ssetifvalue $0x7FFFFFFF  }
0x8c: {  	s24 =	sadd.s32 $0x4000, s23;
	(ifvalue) =	ssetifvalue $0x7FFFFFFF  }
0x8d: {  	[tilespmem:s24], [sflag:$0x1] =	stream.indirect_vreg.gather [hbm4b:s4+s11], $0x1, v9, vm0, $0x4038;
	[tilespmem:$0x11000] =	vst v63  }
0x8e: {  	(ifvalue) =	ssetifvalue $0x7FFFFFFF  }
0x8f: {  	s24 =	sadd.s32 $0x4080, s23;
	(ifvalue) =	ssetifvalue $0x7FFFFFFF  }
0x90: {  	[tilespmem:s24], [sflag:$0x1] =	stream.indirect_vreg.gather [hbm4b:s4+s11], $0x1, v10, vm0, $0x4038;
	[tilespmem:$0x11000] =	vst v63  }
0x91: {  	(ifvalue) =	ssetifvalue $0x7FFFFFFF  }
0x92: {  	s24 =	sadd.s32 $0x4100, s23;
	(ifvalue) =	ssetifvalue $0x7FFFFFFF  }
0x93: {  	[tilespmem:s24], [sflag:$0x1] =	stream.indirect_vreg.gather [hbm4b:s4+s11], $0x1, v11, vm0, $0x4038;
	[tilespmem:$0x11000] =	vst v63  }
0x94: {  	(ifvalue) =	ssetifvalue $0x7FFFFFFF  }
0x95: {  	s25 =	sadd.s32 $0x4200, s23;
	s24 =	sadd.s32 $0x4180, s23;
	(ifvalue) =	ssetifvalue $0x7FFFFFFF  }
0x96: {  	[tilespmem:s24], [sflag:$0x1] =	stream.indirect_vreg.gather [hbm4b:s4+s11], $0x1, v3, vm0, $0x4038;
	[tilespmem:$0x11000] =	vst v63  }
0x97: {  	(ifvalue) =	ssetifvalue $0x7FFFFFFF  }
0x98: {  	s24 =	sadd.s32 $0x4280, s23;
	(ifvalue) =	ssetifvalue $0x7FFFFFFF  }
0x99: {  	[tilespmem:s25], [sflag:$0x1] =	stream.indirect_vreg.gather [hbm4b:s4+s11], $0x1, v12, vm0, $0x4038;
	[tilespmem:$0x11000] =	vst v63  }
0x9a: {  	(ifvalue) =	ssetifvalue $0x7FFFFFFF  }
.Ltmp3:
0x9b: {  	s25 =	sadd.s32 $0x4300, s23;
	(ifvalue) =	ssetifvalue $0x7FFFFFFF;
	(pc) =	sbr.rel @p1 .LBB2_3-.Ltmp3, $4  }
0x9c: {  	[tilespmem:s24], [sflag:$0x1] =	stream.indirect_vreg.gather [hbm4b:s4+s11], $0x1, v13, vm0, $0x4038;
	[tilespmem:$0x11000] =	vst v63  }
0x9d: {  	s20 =	sadd.s32 $0xFFFFFFF0, s20;
	s19 =	sadd.s32 $0x10, s19;
	(ifvalue) =	ssetifvalue $0x7FFFFFFF  }
0x9e: {  	s21 =	sadd.s32 $0x80, s21;
	s23 =	sadd.s32 $0x4380, s23;
	(ifvalue) =	ssetifvalue $0x7FFFFFFF  }
0x9f: {  	[tilespmem:s25], [sflag:$0x1] =	stream.indirect_vreg.gather [hbm4b:s4+s11], $0x1, v14, vm0, $0x4038;
	[tilespmem:$0x11000] =	vst v63  }
.Ltmp4:
0xa0: {  	_ = 	snop;
	(pc) =	sbr.rel .LBB2_4-.Ltmp4, $1  }
0xa1: {  	_ =	sdelay $0x3  }
.LBB2_6:
0xa2: {  	_ =	sfence.sel $0x180000  }
0xa3: {  	s2 =	simm.s32 $0x2;
	[bflag:$0x0] =	sbarrier.arrive $0xFFFF  }
0xa4: {  	s30 =	simm.s32 $0x3;
	[sflag:s2] =	ssyncpa.u1 $0x1  }
0xa5: {  	s31 =	simm.s32 $0x1;
	[sflag:s30] =	ssyncpa.u1 $0x1  }
0xa6: {  	[sflag:s31] =	ssyncpa.u1 $0x1  }
0xa7: {  	p0 =	sne.s32 s1, $0x0;
	_ =	strace $0x9000004A  }
0xa8: {  	s0 =	sadd.s32 @!p0 $0x100000, s0;
	[bflag:$0x2] =	sbarrier.arrive $0xFFFF  }
0xa9: {  	[sflag:s0] =	ssyncadd.tile.s32 @!p0 $0x1;
	_ =	shalt  }
.Lfunc_end2:
_tile_overlayer_lowered:
.L_overlay_start_2:
0xaa: {  	(tag) =	ssettag $0x2  }
0xab: {  	s0 =	rddreg [dreg:$0x0];
	s2 =	stileid.u32  }
0xac: {  	s1 =	rddreg [dreg:$0x1];
	p0 =	sne.s32 s2, $0x0  }
0xad: {  	s3 =	rddreg [dreg:$0x2];
	[bflag:$0x3] =	sbarrier.arrive $0xFFFF;
	s2 =	simm.s32 @!p0 $0x1C01  }
0xae: {  	[timem:s3], [sflag:s2] =	dma.local @!p0 [hbm:s0], s1  }
0xaf: {  	s0 =	simm.s32 @!p0 $0x1  }
0xb0: {  	_ =	swait.ge @!p0 [sflag:s0], s1  }
0xb1: {  	s1 =	ssub.s32 @!p0 $0x0, s1;
	[sflag:s0] =	ssyncset.done @!p0 $0x0  }
0xb2: {  	[sflag:s0] =	ssyncadd.s32 @!p0 s1  }
0xb3: {  	[bflag:$0x3] =	sbarrier.arrive $0xFFFF  }
0xb4: {  	_ =	shalt  }

// kernel: sparse-core-data-format-call.cloned.1.call-start
scs
called_computation_lowered:
.L_overlay_start_0:
0x0: {  	s1 =	sld [smem:$0x3FD9]  }
0x1: {  	s2 =	sld [smem:$0x3FFE];
	_ =	sdelay $0x1  }
0x2: {  	s3 =	srdreg.scid  }
0x3: {  	s0 =	sand.u32 $0x1, s3  }
0x4: {  	s17 =	sshll.u32 s0, $0xA;
	s1 =	sadd.s32 s2, s1  }
0x5: {  	s1 =	sadd.s32 s1, s17  }
0x6: {  	[smem:$0x3FC2] =	sst s1  }
0x7: {  	_ = 	snop  }
0x8: {  	(tm) =	ssettm $0x1  }
0x9: {  	s18 =	sld [smem:$0x3FFB];
	_ =	sdelay $0x3  }
0xa: {  	_ =	strace s18  }
0xb: {  	s1 =	sld [smem:$0x3FFC];
	_ =	sdelay $0x3  }
0xc: {  	_ =	strace s1  }
0xd: {  	s1 =	sld [smem:$0x3FFD];
	_ =	sdelay $0x3  }
0xe: {  	_ =	strace s1  }
0xf: {  	_ =	strace $0x8FFFFFFF  }
0x10: {  	s19 =	sld [smem:$0x3FDB];
	_ =	sdelay $0x1  }
0x11: {  	s20 =	simm.s32 $_scs_section_size  }
0x12: {  	s4 =	simm.s32 $_size__tile_overlayer_lowered;
	s5 =	simm.s32 $_tile_overlayer_lowered  }
0x13: {  	s23 =	simm.s32 $0x1BFF;
	s22 =	sshll.u32 s5, $0x1;
	s1 =	sadd.s32 s20, s19  }
0x14: {  	s6 =	simm.s32 $0x0;
	s21 =	sshll.u32 s4, $0x1;
	s4 =	sadd.s32 s22, s1  }
0x15: {  	[timem:s6], [sflag:s23] =	dma.local [hbm:s4], s21  }
0x16: {  	_ =	swait.ge [sflag:s23], s21  }
0x17: {  	s2 =	ssub.s32 $0x0, s21;
	[sflag:s23] =	ssyncset.done $0x0  }
0x18: {  	[sflag:s23] =	ssyncadd.s32 s2;
	_ =	sdelay $0x1  }
0x19: {  	s24 =	simm.s32 $0x1B8B  }
0x1a: {  	_ =	swait.ge [sflag:s24], $0x1  }
0x1b: {  	[sflag:s24] =	ssyncset.done $0x0  }
0x1c: {  	s26 =	simm.s32 $0x1B8E;
	s25 =	sld [smem:$0x3FFE];
	[sflag:s24] =	ssyncadd.s32 $0xFFFFFFFF  }
0x1d: {  	s27 =	simm.s32 $execute0_lowered;
	[smem:$0x3FD2] =	sst s26  }
0x1e: {  	s4 =	sshll.u32 s27, $0x1;
	_ =	strace $0x80000046;
	[dreg:$0x1] =	wrdreg $0xFFFFFFFF  }
0x1f: {  	s28 =	simm.s32 $_size_execute0_lowered;
	s1 =	sadd.s32 s1, s4;
	[dreg:$0x0] =	wrdreg $0x0  }
0x20: {  	s4 =	sshll.u32 s28, $0x1;
	[dreg:$0x2] =	wrdreg s1  }
0x21: {  	[dreg:$0x3] =	wrdreg s4  }
0x22: {  	[dreg:$0x4] =	wrdreg $0xC0  }
0x23: {  	_ =	task [dreg:s6], $0x5FFFF  }
0x24: {  	[dreg:$0x1] =	wrdreg $0xFFFFFFFF  }
0x25: {  	[dreg:$0x0] =	wrdreg $0x60  }
0x26: {  	[dreg:$0x2] =	wrdreg s25  }
0x27: {  	[dreg:$0x3] =	wrdreg $0x9  }
0x28: {  	_ =	task.clear_ibuf [dreg:s6], $0x4FFFF;
	_ =	strace $0x90000046  }
0x29: {  	s29 =	simm.s32 $0x9;
	_ =	strace $0x80000048  }
0x2a: {  	_ =	swait.ge [sflag:s29], $0x1  }
0x2b: {  	[sflag:s29] =	ssyncadd.s32 $0xFFFFFFFF  }
0x2c: {  	_ =	strace $0x90000048  }
0x2d: {  	_ =	sfence  }
0x2e: {  	s30 =	sld [smem:$0x0];
	_ =	sdelay $0x2  }
0x2f: {  	s31 =	sshll.u32 s3, $0xD;
	s3 =	sshrl.u32 s3, $0x2  }
0x30: {  	s2 =	sand.u32 $0x4000, s31;
	s1 =	sadd.s32 s3, s30  }
0x31: {  	s0 =	sor.u32 s2, s0;
	s1 =	sshll.u32 s1, $0x11  }
0x32: {  	s0 =	sor.u32 s1, s0  }
0x33: {  	s0 =	sadd.s32 $0x8F2B, s0  }
0x34: {  	[sflag:s0] =	ssyncadd.remote.s32 $0x1  }
0x35: {  	_ =	sfence.sel $0xFFFF  }
0x36: {  	[dreg:$0x0] =	wrdreg $0xFFFFFFFF;
	(pc) =	sbr.abs _section_cstart, $3  }
0x37: {  	[dreg:$0x1] =	wrdreg $0xFFFFFFFF  }
0x38: {  	_ =	task.clear_ibuf [dreg:s6], $0x2FFFF;
	_ =	strace $0x9FFFFFFF  }
0x39: {  	(tm) =	ssettm $0x7FFFFFFF  }
tec
execute0_lowered:
.L_overlay_start_1:
0x0: {  	(tag) =	ssettag $0x1  }
0x1: {  	s0 =	rddreg [dreg:$0x0]  }
0x2: {  	s2 =	stileid.u32;
	s4 =	srdreg.scid;
	_ =	strace $0x80000047  }
0x3: {  	s31 =	simm.s32 $0x2;
	s18 =	simm.s32 $0x0;
	s13 =	simm.s32 $0x0  }
0x4: {  	s19 =	simm.s32 $0x0;
	s20 =	simm.s32 $0x0;
	s1 =	sshll.u32 s2, $0x2  }
0x5: {  	s21 =	simm.s32 $0x0;
	s15 =	simm.s32 $0x0;
	s3 =	sand.u32 $0x38, s1  }
0x6: {  	s2 =	sand.u32 $0x1, s2;
	s25 =	sshll.u32 s4, $0x8;
	s6 =	ssub.s32 $0x7C0, s3  }
0x7: {  	s5 =	ssub.s32 $0x2, s2;
	s4 =	sand.u32 $0x100, s25;
	s7 =	sand.u32 $0x38, s6  }
0x8: {  	s26 =	sshrl.u32 s5, $0x1;
	p0 =	sne.s32 s7, $0x0;
	s7 =	simm.s32 $0x1  }
0x9: {  	s5 =	sand.u32 $0x1, s5;
	s6 =	sshrl.u32 s6, $0x6;
	s7 =	simm.s32 @!p0 $0x0  }
0xa: {  	s8 =	ssub.s32 $0x200, s4;
	s1 =	sadd.s32 s5, s26;
	s28 =	sadd.s32 s7, s6  }
0xb: {  	s17 =	simm.s32 $0x0;
	s29 =	sshrl.u32 s8, $0x8;
	s1 =	smul.u32 s1, s28  }
.Ltmp0:
0xc: {  	s30 =	sshrl.u32 s8, $0x9;
	s6 =	sand.u32 $0x1, s29;
	(pc) =	sbr.rel .LBB1_1-.Ltmp0, $4  }
0xd: {  	s27 =	simm.s32 $0x0;
	s16 =	smov.u32 s2;
	s7 =	sadd.s32 s30, s6  }
0xe: {  	s9 =	sshll.u32 s4, $0x3;
	s6 =	simm.s32 $0x1;
	s7 =	smul.u32 s7, s1  }
0xf: {  	s14 =	smov.u32 s3;
	s5 =	sadd.s32 $0xDA600, s0;
	[sflag:s6] =	ssyncpa.u1 $0x0  }
0x10: {  	s8 =	sadd.s32 $0x2CA600, s0;
	[sflag:s31] =	ssyncpa.u1 $0x0;
	s10 =	sadd.s32 $0x1, s7  }
.LBB1_7:
0x11: {  	s0 =	sadd.s32 $0x40, s14  }
0x12: {  	s1 =	sadd.s32 $0x8, s15;
	s11 =	smov.u32 s15;
	p1 =	sgt.s32 s0, $0x7BF  }
0x13: {  	s11 =	smov.u32 @p1 s1  }
0x14: {  	s12 =	sadd.s32 $0x2, s16;
	s22 =	smov.u32 s16;
	p2 =	sgt.s32 s11, $0x7  }
0x15: {  	s22 =	smov.u32 @p2 s12  }
0x16: {  	s0 =	smov.u32 @p1 s3;
	p1 =	sgt.s32 s22, $0x1  }
0x17: {  	p0 =	slt.u32 s17, $0x2;
	s22 =	smov.u32 @p1 s2;
	p1 =	sne.s32 s17, s10  }
.Ltmp1:
0x18: {  	s19 =	smov.u32 s14;
	s1 =	simm.s32 @!p0 $0x2;
	(pc) =	sbr.rel @!p1 .LBB1_8-.Ltmp1, $4  }
0x19: {  	s20 =	smov.u32 s15;
	s21 =	smov.u32 s16;
	_ =	swait.ge @!p0 [sflag:s1], $0x4000  }
0x1a: {  	s13 =	sadd.s32 $0x4000, s13;
	s18 =	smov.u32 s4;
	[sflag:s1] =	ssyncset.done @!p0 $0x0  }
0x1b: {  	s14 =	smov.u32 s0;
	s11 =	simm.s32 @p2 $0x0;
	[sflag:s1] =	ssyncadd.s32 @!p0 $0xFFFFC000  }
0x1c: {  	s15 =	smov.u32 s11;
	s17 =	sadd.s32 $0x1, s17;
	s16 =	smov.u32 s22  }
.LBB1_1:
0x1d: {  	p0 =	sge.u32 s17, s7  }
0x1e: {  	s0 =	sshll.u32 @!p0 s14, $0x9  }
0x1f: {  	s1 =	sshll.u32 @!p0 s14, $0x7;
	s0 =	sand.u32 @!p0 $0xFFFFF000, s0  }
0x20: {  	s1 =	sand.u32 @!p0 $0x200, s1;
	s0 =	sor.u32 @!p0 s9, s0  }
0x21: {  	s0 =	sor.u32 @!p0 s1, s0  }
0x22: {  	s0 =	sshrl.u32 @!p0 s0, $0x9  }
0x23: {  	s1 =	smulhi.u32 @!p0 $0x842109, s0;
	_ =	sdelay $0x1  }
0x24: {  	s11 =	smul.u32 @!p0 $0xF8000, s16;
	s1 =	sshrl.u32 @!p0 s1, $0x2  }
0x25: {  	s1 =	smul.u32 @!p0 $0x7C0, s1  }
0x26: {  	s31 =	sadd.s32 $0xFFFFFFFF, s17;
	s12 =	sxor.u32 @!p0 $0xFFFFFFFF, s17;
	s22 =	smul.u32 @!p0 $0x1F000, s15  }
0x27: {  	s11 =	sadd.s32 @!p0 s5, s11;
	s0 =	ssub.s32 @!p0 s0, s1;
	s1 =	sshll.u32 @!p0 s14, $0x4  }
0x28: {  	s12 =	sshll.u32 @!p0 s12, $0xE;
	s11 =	sadd.s32 @!p0 s22, s11;
	s1 =	sand.u32 @!p0 $0x30, s1  }
0x29: {  	s12 =	sand.u32 @!p0 $0x4000, s12;
	s0 =	sshll.u32 @!p0 s0, $0x6;
	s1 =	sadd.s32 @!p0 s1, s11  }
0x2a: {  	s11 =	simm.s32 @!p0 $0xF8000;
	s0 =	sadd.s32 @!p0 s0, s1;
	s1 =	simm.s32 @!p0 $0x800  }
0x2b: {  	[tilespmem:s12], [sflag:$0x1] =	stream.strided.gather @!p0 [hbm4b:s0+s1], $0x4000, s11, s1, $0x38;
	[tilespmem:$0x10000] =	vst v63  }
0x2c: {  	p0 =	sge.u32 s31, s7  }
.Ltmp2:
0x2d: {  	_ = 	snop;
	(pc) =	sbr.rel @p0 .LBB1_7-.Ltmp2, $1  }
0x2e: {  	_ =	sdelay $0x3  }
0x2f: {  	s0 =	sshll.u32 s13, $0x2;
	_ =	swait.ge [sflag:s6], $0x4000;
	s11 =	sshll.u32 s17, $0xE  }
0x30: {  	p0 =	por $0x0, $0x0;
	s28 =	simm.s32 $0x0;
	s29 =	simm.s32 $0x0  }
0x31: {  	s0 =	sand.u32 $0x10000, s0;
	[sflag:s6] =	ssyncset.done $0x0;
	s25 =	sand.u32 $0x4000, s11  }
0x32: {  	s1 =	sshrl.u32 s0, $0x2;
	[sflag:s6] =	ssyncadd.s32 $0xFFFFC000;
	s22 =	sor.u32 $0x8000, s25  }
0x33: {  	s23 =	sor.u32 $0x40, s1;
	s0 =	sor.u32 $0x8410, s1;
	s26 =	sadd.s32 $0x8400, s1  }
.LBB1_3:
0x34: {  	v1 =	vld [tilespmem:s23+$0xFFFFFFD0]  }
0x35: {  	v2 =	vld [tilespmem:s23+$0x430]  }
0x36: {  	s1 =	sshll.u32 s29, $0xB;
	v4 =	vld [tilespmem:s23+$0xFFFFFFE0]  }
0x37: {  	v7 =	vld [tilespmem:s23+$0xFFFFFFF0];
	v0 =	vmov s1  }
0x38: {  	v8 =	vld [tilespmem:s23+$0x0]  }
0x39: {  	s12 =	sand.u32 $0x300, s27;
	v9 =	vld [tilespmem:s23+$0x10]  }
0x3a: {  	s11 =	sand.u32 $0x80, s27;
	v10 =	vld [tilespmem:s23+$0x20];
	s1 =	sadd.s32 s12, s25  }
0x3b: {  	v11 =	vld [tilespmem:s23+$0x30];
	s1 =	sadd.s32 s11, s1;
	s11 =	simm.s32 $0x1;
	[tilespmem:s0+$0x60] =	vst v2  }
0x3c: {  	s24 =	sshll.u32 s28, $0x2;
	s11 =	simm.s32 @!p0 $0x0;
	[tilespmem:s0+$0xFFFFFC00] =	vst v1;
	v3 =	vld.idx.msk [tilespmem:v0+s1+$0x400 ss:$0x1], $0xffff  }
0x3d: {  	v6 =	vld [tilespmem:s23+$0x3D0];
	s11 =	sshll.u32 s11, $0x9;
	[tilespmem:s0+$0xFFFFFC10] =	vst v4;
	s1 =	sand.u32 $0xFFFFFC00, s24  }
0x3e: {  	v5 =	vld [tilespmem:s23+$0x3E0];
	[tilespmem:s0+$0xFFFFFC20] =	vst v7;
	s1 =	sor.u32 s11, s1  }
0x3f: {  	[tilespmem:s0+$0xFFFFFC30] =	vst v8;
	v4 =	vld [tilespmem:s23+$0x400];
	s1 =	sshrl.u32 s1, $0x2  }
0x40: {  	[tilespmem:s0+$0xFFFFFC40] =	vst v9;
	v1 =	vld [tilespmem:s23+$0x410];
	s30 =	sadd.s32 s1, s26  }
0x41: {  	[tilespmem:s30+$0x0] =	vst v3;
	v3 =	vld [tilespmem:s23+$0x3F0]  }
0x42: {  	s31 =	sadd.s32 $0x80, s23;
	[tilespmem:s0+$0xFFFFFC50] =	vst v10;
	v2 =	vld [tilespmem:s23+$0x420];
	s11 =	simm.s32 $0x80  }
0x43: {  	v7 =	vld [tilespmem:s23+$0xFFFFFFC0];
	[tilespmem:s0+$0xFFFFFC60] =	vst v11;
	s24 =	smov.u32 s0;
	s12 =	sand.u32 $0x300, s11;
	s1 =	simm.s32 $0x100  }
.LBB1_4:
0x44: {  	p1 =	sne.s32 s1, $0x380;
	v8 =	vld [tilespmem:s31+$0xFFFFFFD0];
	s11 =	sand.u32 $0x80, s11;
	s12 =	sadd.s32 s12, s25;
	[tilespmem:s24+$0x0] =	vst v6  }
0x45: {  	s12 =	sadd.s32 s11, s12;
	v6 =	vld [tilespmem:s31+$0x430];
	[tilespmem:s24+$0x10] =	vst v5;
	s11 =	smov.u32 s1  }
0x46: {  	v5 =	vld.idx.msk [tilespmem:v0+s12+$0x400 ss:$0x1], $0xffff;
	[tilespmem:s24+$0x20] =	vst v3  }
0x47: {  	v3 =	vld [tilespmem:s31+$0xFFFFFFE0];
	[tilespmem:s24+$0x30] =	vst v4  }
0x48: {  	v4 =	vld [tilespmem:s31+$0xFFFFFFF0];
	[tilespmem:s24+$0xFFFFFBF0] =	vst v7  }
0x49: {  	v7 =	vld [tilespmem:s31+$0x0];
	[tilespmem:s24+$0x40] =	vst v1  }
0x4a: {  	v1 =	vld [tilespmem:s31+$0x10];
	[tilespmem:s24+$0x50] =	vst v2;
	s24 =	sadd.s32 $0x800, s24  }
0x4b: {  	s30 =	sadd.s32 $0x800, s30;
	v2 =	vld [tilespmem:s31+$0x20];
	[tilespmem:s24+$0x60] =	vst v6  }
0x4c: {  	v9 =	vld [tilespmem:s31+$0x30];
	[tilespmem:s30+$0x0] =	vst v5  }
0x4d: {  	[tilespmem:s24+$0xFFFFFC00] =	vst v8;
	v6 =	vld [tilespmem:s31+$0x3D0]  }
0x4e: {  	[tilespmem:s24+$0xFFFFFC10] =	vst v3;
	v5 =	vld [tilespmem:s31+$0x3E0]  }
.Ltmp3:
0x4f: {  	[tilespmem:s24+$0xFFFFFC20] =	vst v4;
	v3 =	vld [tilespmem:s31+$0x3F0];
	(pc) =	sbr.rel @p1 .LBB1_4-.Ltmp3, $4  }
0x50: {  	[tilespmem:s24+$0xFFFFFC30] =	vst v7;
	v4 =	vld [tilespmem:s31+$0x400]  }
0x51: {  	[tilespmem:s24+$0xFFFFFC40] =	vst v1;
	v1 =	vld [tilespmem:s31+$0x410]  }
0x52: {  	[tilespmem:s24+$0xFFFFFC50] =	vst v2;
	v2 =	vld [tilespmem:s31+$0x420]  }
0x53: {  	s1 =	sadd.s32 $0x80, s1;
	s12 =	sand.u32 $0x300, s11;
	v7 =	vld [tilespmem:s31+$0xFFFFFFC0];
	[tilespmem:s24+$0xFFFFFC60] =	vst v9;
	s31 =	sadd.s32 $0x80, s31  }
0x54: {  	[tilespmem:s24+$0x0] =	vst v6  }
0x55: {  	[tilespmem:s24+$0x10] =	vst v5  }
0x56: {  	v49 =	vld [tilespmem:s31+$0x430];
	[tilespmem:s24+$0x20] =	vst v3  }
0x57: {  	v50 =	vld [tilespmem:s31+$0xFFFFFFD0];
	[tilespmem:s24+$0x30] =	vst v4  }
0x58: {  	v51 =	vld [tilespmem:s31+$0xFFFFFFE0];
	[tilespmem:s24+$0x40] =	vst v1  }
0x59: {  	v52 =	vld [tilespmem:s31+$0xFFFFFFF0];
	[tilespmem:s24+$0x50] =	vst v2  }
0x5a: {  	v53 =	vld [tilespmem:s31+$0x0];
	[tilespmem:s24+$0xFFFFFBF0] =	vst v7;
	s24 =	sadd.s32 $0x800, s24  }
0x5b: {  	v54 =	vld [tilespmem:s31+$0x10];
	[tilespmem:s24+$0x60] =	vst v49  }
0x5c: {  	v55 =	vld [tilespmem:s31+$0x20];
	[tilespmem:s24+$0xFFFFFC00] =	vst v50  }
0x5d: {  	v56 =	vld [tilespmem:s31+$0x30];
	[tilespmem:s24+$0xFFFFFC10] =	vst v51  }
0x5e: {  	v57 =	vld [tilespmem:s31+$0x3D0];
	[tilespmem:s24+$0xFFFFFC20] =	vst v52  }
0x5f: {  	v58 =	vld [tilespmem:s31+$0x3E0];
	[tilespmem:s24+$0xFFFFFC30] =	vst v53  }
0x60: {  	v59 =	vld [tilespmem:s31+$0x3F0];
	[tilespmem:s24+$0xFFFFFC40] =	vst v54  }
0x61: {  	v60 =	vld [tilespmem:s31+$0x400];
	[tilespmem:s24+$0xFFFFFC50] =	vst v55  }
0x62: {  	v61 =	vld [tilespmem:s31+$0xFFFFFFC0];
	[tilespmem:s24+$0xFFFFFC60] =	vst v56  }
0x63: {  	s1 =	sand.u32 $0x80, s11;
	s12 =	sadd.s32 s12, s25;
	v62 =	vld [tilespmem:s31+$0x410];
	[tilespmem:s24+$0x0] =	vst v57  }
0x64: {  	v63 =	vld [tilespmem:s31+$0x420];
	s29 =	sadd.s32 $0x1, s29;
	s1 =	sadd.s32 s1, s12;
	[tilespmem:s24+$0x10] =	vst v58  }
0x65: {  	p1 =	sne.s32 s29, $0x8;
	v0 =	vld.idx.msk [tilespmem:v0+s1+$0x400 ss:$0x1], $0xffff;
	[tilespmem:s24+$0x20] =	vst v59  }
.Ltmp4:
0x66: {  	[tilespmem:s24+$0x30] =	vst v60;
	(pc) =	sbr.rel @p1 .LBB1_3-.Ltmp4, $4  }
0x67: {  	[tilespmem:s24+$0xFFFFFBF0] =	vst v61  }
0x68: {  	[tilespmem:s24+$0x40] =	vst v62  }
0x69: {  	s30 =	sadd.s32 $0x800, s30;
	s23 =	sadd.s32 $0x800, s23;
	[tilespmem:s24+$0x50] =	vst v63  }
0x6a: {  	s28 =	sadd.s32 $0x80, s28;
	p0 =	por !p0, !p0;
	s0 =	sadd.s32 $0x80, s0;
	[tilespmem:s30+$0x0] =	vst v0  }
0x6b: {  	s0 =	smul.u32 $0xF8000, s21  }
.Ltmp5:
0x6c: {  	s1 =	sshll.u32 s20, $0x4;
	(pc) =	sbr.rel .LBB1_7-.Ltmp5, $4  }
0x6d: {  	s11 =	sshll.u32 s19, $0x9;
	s1 =	sand.u32 $0x70, s1;
	s0 =	sadd.s32 s8, s0  }
0x6e: {  	s1 =	sor.u32 s18, s1;
	s0 =	sadd.s32 s11, s0  }
0x6f: {  	s30 =	simm.s32 $0x800;
	s31 =	simm.s32 $0x1000;
	s0 =	sadd.s32 s1, s0  }
0x70: {  	[hbm4b:s0+s30] =	stream.strided.scatter [tilespmem:s22], [sflag:$0x2], $0x4000, s31, s30, $0x38;
	[tilespmem:$0x10000] =	vst v63  }
.LBB1_8:
0x71: {  	_ =	sfence.sel $0x180000  }
0x72: {  	s0 =	simm.s32 $0x1;
	[bflag:$0x0] =	sbarrier.arrive $0xFFFF  }
0x73: {  	s30 =	simm.s32 $0x2;
	[sflag:s0] =	ssyncpa.u1 $0x1  }
0x74: {  	[sflag:s30] =	ssyncpa.u1 $0x1  }
0x75: {  	_ =	strace $0x90000047  }
0x76: {  	s31 =	stileid.u32;
	[bflag:$0x2] =	sbarrier.arrive $0xFFFF  }
0x77: {  	p0 =	sne.s32 s31, $0x0;
	s0 =	rddreg [dreg:$0x1]  }
0x78: {  	s0 =	sadd.s32 @!p0 $0x100000, s0  }
0x79: {  	[sflag:s0] =	ssyncadd.tile.s32 @!p0 $0x1;
	_ =	shalt  }
.Lfunc_end1:
_tile_overlayer_lowered:
.L_overlay_start_2:
0x7a: {  	(tag) =	ssettag $0x2  }
0x7b: {  	s0 =	rddreg [dreg:$0x0];
	s2 =	stileid.u32  }
0x7c: {  	s1 =	rddreg [dreg:$0x1];
	p0 =	sne.s32 s2, $0x0  }
0x7d: {  	s3 =	rddreg [dreg:$0x2];
	[bflag:$0x3] =	sbarrier.arrive $0xFFFF;
	s2 =	simm.s32 @!p0 $0x1C01  }
0x7e: {  	[timem:s3], [sflag:s2] =	dma.local @!p0 [hbm:s0], s1  }
0x7f: {  	s0 =	simm.s32 @!p0 $0x1  }
0x80: {  	_ =	swait.ge @!p0 [sflag:s0], s1  }
0x81: {  	s1 =	ssub.s32 @!p0 $0x0, s1;
	[sflag:s0] =	ssyncset.done @!p0 $0x0  }
0x82: {  	[sflag:s0] =	ssyncadd.s32 @!p0 s1  }
0x83: {  	[bflag:$0x3] =	sbarrier.arrive $0xFFFF  }
0x84: {  	_ =	shalt  }

</sc_bundles>
